<compile_context>
chip_gen: v7x
topology: tpu7x:2x2x1
jax: 0.10.2.dev20260603
libtpu: 0.0.44.dev20260713+nightly
codegen_flags: <defaults>
</compile_context>

<pallas_src>
import functools

import jax
import jax.numpy as jnp
from jax import lax
from jax.experimental import pallas as pl
from jax.experimental.pallas import tpu as pltpu
from jax.experimental.pallas import tpu_sc as plsc

_VOCAB = 1000
_CODE = 64
_LATENT = 512
_NC = 2
_NS = 16
_NW = _NC * _NS
_C = 80
_NCHUNK = 20
_NBUF = 3
_B_PER_W = _C * _NCHUNK


def _proj_body(emb_ref, vv_ref, g_ref, b_ref, out_ref):
    vv = vv_ref[...]
    norm = jnp.sqrt(jnp.sum(vv * vv, axis=1, keepdims=True) + 1e-12)
    w2 = vv * (g_ref[...] / norm)
    out_ref[...] = lax.dot_general(
        emb_ref[...], w2, (((1,), (1,)), ((), ())),
        preferred_element_type=jnp.float32,
        precision=lax.Precision.HIGHEST,
    ) + b_ref[...]


def _project_table(emb_table, vv, g2, b2):
    return pl.pallas_call(
        _proj_body,
        out_shape=jax.ShapeDtypeStruct((_VOCAB, _LATENT), jnp.float32),
    )(emb_table, vv, g2, b2)


def _gather_body(proj_hbm, xf_hbm, out_hbm, idx_v, *scr):
    rows = scr[:_NBUF]
    gsem = scr[_NBUF:]
    wid = lax.axis_index("s") * _NC + lax.axis_index("c")
    pltpu.sync_copy(xf_hbm.at[wid], idx_v)
    base = wid * _B_PER_W

    for b in range(_NBUF):
        pltpu.make_async_copy(proj_hbm.at[idx_v.at[b]], rows[b], gsem[b]).start()

    def outer(j, carry):
        for b in range(_NBUF):
            k = j * _NBUF + b

            @pl.when(k < _NCHUNK)
            def _():
                pltpu.make_async_copy(
                    proj_hbm.at[idx_v.at[k]], rows[b], gsem[b]).wait()
                off = pl.multiple_of(base + k * _C, _C)
                pltpu.sync_copy(rows[b], out_hbm.at[pl.ds(off, _C)])
                kn = k + _NBUF

                @pl.when(kn < _NCHUNK)
                def _():
                    pltpu.make_async_copy(
                        proj_hbm.at[idx_v.at[kn]], rows[b], gsem[b]).start()
        return carry

    lax.fori_loop(0, -(-_NCHUNK // _NBUF), outer, 0)


@functools.cache
def _gather_call():
    return pl.kernel(
        _gather_body,
        mesh=plsc.VectorSubcoreMesh(
            core_axis_name="c", subcore_axis_name="s",
            num_cores=_NC, num_subcores=_NS,
        ),
        out_type=jax.ShapeDtypeStruct((_NW * _B_PER_W, _LATENT), jnp.float32),
        scratch_types=(
            [pltpu.VMEM((_NCHUNK, _C), jnp.int32)]
            + [pltpu.VMEM((_C, _LATENT), jnp.float32) for _ in range(_NBUF)]
            + [pltpu.SemaphoreType.DMA for _ in range(_NBUF)]
        ),
    )


def kernel(x, emb_table, v, g, b):
    B, T = x.shape
    vv = v[:, :, 0]
    g2 = g[:, 0, :]
    b2 = b[None, :]
    proj = _project_table(emb_table, vv, g2, b2)
    xf = jnp.transpose(x.astype(jnp.int32)).reshape(_NW, _NCHUNK, _C)
    out = _gather_call()(proj, xf)
    return out.reshape(T, B, _LATENT).transpose(1, 0, 2)

# --- scband reference (transcript-rebuilt; emitter-appended) ---
"""Pipeline reference for scband-dac-embedding-projection-22711787061964 (READ-ONLY COPY).

The authoritative reference and input builder live on the scoring server;
editing this copy changes nothing except your own understanding.
"""

import jax, jax.numpy as jnp
import numpy as np

VOCAB = 1000
CODE_DIM = 64
LATENT_DIM = 512
B = 1024
T = 50


def setup_inputs(seed: int = 0) -> dict:
    key = jax.random.key(seed)
    k1, k2, k3, k4, k5 = jax.random.split(key, 5)
    x = jax.random.randint(k1, (B, T), 0, VOCAB)
    emb_table = jax.random.normal(k2, (VOCAB, CODE_DIM), dtype=jnp.float32)
    # WNConv1d with kernel_size=1: v is direction, g is magnitude, b is bias
    v = jax.random.normal(k3, (LATENT_DIM, CODE_DIM, 1), dtype=jnp.float32) * 0.05
    g = jax.random.uniform(k4, (LATENT_DIM, 1, 1), dtype=jnp.float32, minval=0.5, maxval=1.5)
    b = jax.random.normal(k5, (LATENT_DIM,), dtype=jnp.float32) * 0.01
    return {"x": x, "emb_table": emb_table, "v": v, "g": g, "b": b}


def reference(x, emb_table, v, g, b):
    # z_e = self.emb(x).transpose(1, 2)  -> [B, code_dim, T]
    z_e = jnp.take(emb_table, x, axis=0)          # [B, T, code_dim]
    z_e = jnp.transpose(z_e, (0, 2, 1))           # [B, code_dim, T]
    # weight-normalized conv1d weight: w = g * v / ||v||  (norm over in_ch and kernel dims)
    norm = jnp.sqrt(jnp.sum(v * v, axis=(1, 2), keepdims=True) + 1e-12)
    w = g * v / norm                               # [latent, code_dim, 1]
    w2 = w[:, :, 0]                                # [latent, code_dim]
    # kernel_size=1 conv1d == pointwise linear over channel dim
    z_q = jnp.einsum('od,bdt->bot', w2, z_e) + b[None, :, None]  # [B, latent, T]
    # return z_q.transpose(1, 2)
    return jnp.transpose(z_q, (0, 2, 1))          # [B, T, latent]

if __name__ == "__main__":
    import jax
    _d = setup_inputs()
    print(jax.jit(kernel)(*tuple(_d.values())))

</pallas_src>

<mosaic_0001>
#map = affine_map<(d0, d1) -> (0, 0)>
#map1 = affine_map<(d0, d1) -> (0, 0, 0)>
module attributes {stable_mosaic.version = 14 : i64} {
  func.func @_gather_body(%arg0: i32, %arg1: i32, %arg2: memref<1000x512xf32, #tpu.memory_space<hbm>>, %arg3: memref<32x20x80xi32, #tpu.memory_space<hbm>>, %arg4: memref<51200x512xf32, #tpu.memory_space<hbm>>, %arg5: memref<20x80xi32, #tpu.memory_space<vmem>>, %arg6: memref<80x512xf32, #tpu.memory_space<vmem>>, %arg7: memref<80x512xf32, #tpu.memory_space<vmem>>, %arg8: memref<80x512xf32, #tpu.memory_space<vmem>>, %arg9: memref<!tpu.dma_semaphore, #tpu.memory_space<semaphore_mem>>, %arg10: memref<!tpu.dma_semaphore, #tpu.memory_space<semaphore_mem>>, %arg11: memref<!tpu.dma_semaphore, #tpu.memory_space<semaphore_mem>>) attributes {dimension_semantics = [#tpu.dimension_semantics<core_parallel>, #tpu.dimension_semantics<subcore_parallel>], iteration_bounds = array<i64: 2, 16>, scalar_prefetch = 0 : i64, scratch_operands = 7 : i64, tpu.core_type = #tpu.core_type<sc_vector_subcore>, window_params = [{transform_indices = #map}, {transform_indices = #map1}, {transform_indices = #map}]} {
    %mul3A = arith.constant 2 : i32
    %mul3A_0 = arith.muli %arg1, %mul3A : i32
    %add3A = arith.addi %mul3A_0, %arg0 : i32
    "tpu.region"() ({
      %run_scoped3A = tpu.sem_alloc : memref<!tpu.dma_semaphore, #tpu.memory_space<semaphore_mem>>
      %dma_start3A_28 = arith.constant 0 : i32
      %dma_start3A_29 = arith.constant 0 : i32
      %dma_start3A_30 = tpu.memref_slice %arg3[%add3A, %dma_start3A_28, %dma_start3A_29] : memref<32x20x80xi32, #tpu.memory_space<hbm>> -> memref<1x20x80xi32, #tpu.memory_space<hbm>>
      %dma_start3A_31 = tpu.memref_squeeze %dma_start3A_30 : memref<1x20x80xi32, #tpu.memory_space<hbm>> -> memref<20x80xi32, #tpu.memory_space<hbm>>
      %dma_start3A_32 = arith.constant 0 : i32
      %dma_start3A_33 = arith.constant 0 : i32
      %dma_start3A_34 = tpu.memref_slice %arg3[%add3A, %dma_start3A_32, %dma_start3A_33] : memref<32x20x80xi32, #tpu.memory_space<hbm>> -> memref<1x20x80xi32, #tpu.memory_space<hbm>>
      %dma_start3A_35 = tpu.memref_squeeze %dma_start3A_34 : memref<1x20x80xi32, #tpu.memory_space<hbm>> -> memref<20x80xi32, #tpu.memory_space<hbm>>
      tpu.enqueue_dma source(%dma_start3A_35 : memref<20x80xi32, #tpu.memory_space<hbm>>) target(%arg5 : memref<20x80xi32, #tpu.memory_space<vmem>>) target_semaphore(%run_scoped3A : memref<!tpu.dma_semaphore, #tpu.memory_space<semaphore_mem>>)
      %dma_wait3A = arith.constant 0 : i32
      %dma_wait3A_36 = arith.constant 0 : i32
      %dma_wait3A_37 = tpu.memref_slice %arg3[%add3A, %dma_wait3A, %dma_wait3A_36] : memref<32x20x80xi32, #tpu.memory_space<hbm>> -> memref<1x20x80xi32, #tpu.memory_space<hbm>>
      %dma_wait3A_38 = tpu.memref_squeeze %dma_wait3A_37 : memref<1x20x80xi32, #tpu.memory_space<hbm>> -> memref<20x80xi32, #tpu.memory_space<hbm>>
      %dma_wait3A_39 = arith.constant 0 : i32
      %dma_wait3A_40 = arith.constant 0 : i32
      %dma_wait3A_41 = tpu.memref_slice %arg3[%add3A, %dma_wait3A_39, %dma_wait3A_40] : memref<32x20x80xi32, #tpu.memory_space<hbm>> -> memref<1x20x80xi32, #tpu.memory_space<hbm>>
      %dma_wait3A_42 = tpu.memref_squeeze %dma_wait3A_41 : memref<1x20x80xi32, #tpu.memory_space<hbm>> -> memref<20x80xi32, #tpu.memory_space<hbm>>
      tpu.wait_dma2 semaphore(%run_scoped3A : memref<!tpu.dma_semaphore, #tpu.memory_space<semaphore_mem>>) src(%dma_wait3A_42 : memref<20x80xi32, #tpu.memory_space<hbm>>) dst(%arg5 : memref<20x80xi32, #tpu.memory_space<vmem>>)
      tpu.yield
    }) : () -> ()
    %mul3A_1 = arith.constant 1600 : i32
    %mul3A_2 = arith.muli %add3A, %mul3A_1 : i32
    %dma_start3A = arith.constant 0 : i32
    %dma_start3A_3 = arith.constant 0 : i32
    %dma_start3A_4 = tpu.memref_slice %arg5[%dma_start3A, %dma_start3A_3] : memref<20x80xi32, #tpu.memory_space<vmem>> -> memref<1x80xi32, #tpu.memory_space<vmem>>
    %dma_start3A_5 = tpu.memref_squeeze %dma_start3A_4 : memref<1x80xi32, #tpu.memory_space<vmem>> -> memref<80xi32, #tpu.memory_space<vmem>>
    %dma_start3A_6 = arith.constant 0 : i32
    %dma_start3A_7 = arith.constant 0 : i32
    %dma_start3A_8 = tpu.memref_slice %arg2[%dma_start3A_6, %dma_start3A_7] : memref<1000x512xf32, #tpu.memory_space<hbm>> -> memref<1000x512xf32, #tpu.memory_space<hbm>>
    tpu.enqueue_indirect_dma source(%dma_start3A_8 : memref<1000x512xf32, #tpu.memory_space<hbm>>) target(%arg6 : memref<80x512xf32, #tpu.memory_space<vmem>>) offsets(%dma_start3A_5 : memref<80xi32, #tpu.memory_space<vmem>>) semaphore(%arg9 : memref<!tpu.dma_semaphore, #tpu.memory_space<semaphore_mem>>)
    %dma_start3A_9 = arith.constant 1 : i32
    %dma_start3A_10 = arith.constant 0 : i32
    %dma_start3A_11 = tpu.memref_slice %arg5[%dma_start3A_9, %dma_start3A_10] : memref<20x80xi32, #tpu.memory_space<vmem>> -> memref<1x80xi32, #tpu.memory_space<vmem>>
    %dma_start3A_12 = tpu.memref_squeeze %dma_start3A_11 : memref<1x80xi32, #tpu.memory_space<vmem>> -> memref<80xi32, #tpu.memory_space<vmem>>
    %dma_start3A_13 = arith.constant 0 : i32
    %dma_start3A_14 = arith.constant 0 : i32
    %dma_start3A_15 = tpu.memref_slice %arg2[%dma_start3A_13, %dma_start3A_14] : memref<1000x512xf32, #tpu.memory_space<hbm>> -> memref<1000x512xf32, #tpu.memory_space<hbm>>
    tpu.enqueue_indirect_dma source(%dma_start3A_15 : memref<1000x512xf32, #tpu.memory_space<hbm>>) target(%arg7 : memref<80x512xf32, #tpu.memory_space<vmem>>) offsets(%dma_start3A_12 : memref<80xi32, #tpu.memory_space<vmem>>) semaphore(%arg10 : memref<!tpu.dma_semaphore, #tpu.memory_space<semaphore_mem>>)
    %dma_start3A_16 = arith.constant 2 : i32
    %dma_start3A_17 = arith.constant 0 : i32
    %dma_start3A_18 = tpu.memref_slice %arg5[%dma_start3A_16, %dma_start3A_17] : memref<20x80xi32, #tpu.memory_space<vmem>> -> memref<1x80xi32, #tpu.memory_space<vmem>>
    %dma_start3A_19 = tpu.memref_squeeze %dma_start3A_18 : memref<1x80xi32, #tpu.memory_space<vmem>> -> memref<80xi32, #tpu.memory_space<vmem>>
    %dma_start3A_20 = arith.constant 0 : i32
    %dma_start3A_21 = arith.constant 0 : i32
    %dma_start3A_22 = tpu.memref_slice %arg2[%dma_start3A_20, %dma_start3A_21] : memref<1000x512xf32, #tpu.memory_space<hbm>> -> memref<1000x512xf32, #tpu.memory_space<hbm>>
    tpu.enqueue_indirect_dma source(%dma_start3A_22 : memref<1000x512xf32, #tpu.memory_space<hbm>>) target(%arg8 : memref<80x512xf32, #tpu.memory_space<vmem>>) offsets(%dma_start3A_19 : memref<80xi32, #tpu.memory_space<vmem>>) semaphore(%arg11 : memref<!tpu.dma_semaphore, #tpu.memory_space<semaphore_mem>>)
    %scan3A = arith.constant 0 : i32
    %scan3A_23 = arith.constant 0 : i32
    %scan3A_24 = arith.constant 7 : i32
    %scan3A_25 = arith.addi %scan3A_23, %scan3A_24 : i32
    %scan3A_26 = arith.constant 1 : i32
    scf.for %scan3A_28 = %scan3A_23 to %scan3A_25 step %scan3A_26  : i32 {
      %mul3A_29 = arith.constant 3 : i32
      %mul3A_30 = arith.muli %scan3A_28, %mul3A_29 : i32
      %add3A_31 = arith.constant 0 : i32
      %add3A_32 = arith.addi %mul3A_30, %add3A_31 : i32
      %lt3A = arith.constant 20 : i32
      %lt3A_33 = arith.cmpi slt, %add3A_32, %lt3A : i32
      %convert_element_type3A = arith.extui %lt3A_33 : i1 to i32
      %cond3A = arith.constant 0 : i32
      %cond3A_34 = arith.cmpi ne, %convert_element_type3A, %cond3A : i32
      scf.if %cond3A_34 {
        %dma_wait3A = arith.constant 0 : i32
        %dma_wait3A_53 = tpu.memref_slice %arg5[%add3A_32, %dma_wait3A] : memref<20x80xi32, #tpu.memory_space<vmem>> -> memref<1x80xi32, #tpu.memory_space<vmem>>
        %dma_wait3A_54 = tpu.memref_squeeze %dma_wait3A_53 : memref<1x80xi32, #tpu.memory_space<vmem>> -> memref<80xi32, #tpu.memory_space<vmem>>
        %dma_wait3A_55 = arith.constant 0 : i32
        %dma_wait3A_56 = arith.constant 0 : i32
        %dma_wait3A_57 = tpu.memref_slice %arg2[%dma_wait3A_55, %dma_wait3A_56] : memref<1000x512xf32, #tpu.memory_space<hbm>> -> memref<1000x512xf32, #tpu.memory_space<hbm>>
        tpu.wait_indirect_dma semaphore(%arg9 : memref<!tpu.dma_semaphore, #tpu.memory_space<semaphore_mem>>) src(%dma_wait3A_57 : memref<1000x512xf32, #tpu.memory_space<hbm>>) dst(%arg6 : memref<80x512xf32, #tpu.memory_space<vmem>>)
        %mul3A_58 = arith.constant 80 : i32
        %mul3A_59 = arith.muli %add3A_32, %mul3A_58 : i32
        %add3A_60 = arith.addi %mul3A_2, %mul3A_59 : i32
        %multiple_of3A = tpu.assume_multiple %add3A_60, 80 : i32
        "tpu.region"() ({
          %run_scoped3A = tpu.sem_alloc : memref<!tpu.dma_semaphore, #tpu.memory_space<semaphore_mem>>
          %dma_start3A_68 = arith.constant 0 : i32
          %dma_start3A_69 = tpu.memref_slice %arg4[%multiple_of3A, %dma_start3A_68] : memref<51200x512xf32, #tpu.memory_space<hbm>> -> memref<80x512xf32, #tpu.memory_space<hbm>>
          %dma_start3A_70 = arith.constant 0 : i32
          %dma_start3A_71 = tpu.memref_slice %arg4[%multiple_of3A, %dma_start3A_70] : memref<51200x512xf32, #tpu.memory_space<hbm>> -> memref<80x512xf32, #tpu.memory_space<hbm>>
          tpu.enqueue_dma source(%arg6 : memref<80x512xf32, #tpu.memory_space<vmem>>) target(%dma_start3A_71 : memref<80x512xf32, #tpu.memory_space<hbm>>) target_semaphore(%run_scoped3A : memref<!tpu.dma_semaphore, #tpu.memory_space<semaphore_mem>>)
          %dma_wait3A_72 = arith.constant 0 : i32
          %dma_wait3A_73 = tpu.memref_slice %arg4[%multiple_of3A, %dma_wait3A_72] : memref<51200x512xf32, #tpu.memory_space<hbm>> -> memref<80x512xf32, #tpu.memory_space<hbm>>
          %dma_wait3A_74 = arith.constant 0 : i32
          %dma_wait3A_75 = tpu.memref_slice %arg4[%multiple_of3A, %dma_wait3A_74] : memref<51200x512xf32, #tpu.memory_space<hbm>> -> memref<80x512xf32, #tpu.memory_space<hbm>>
          tpu.wait_dma2 semaphore(%run_scoped3A : memref<!tpu.dma_semaphore, #tpu.memory_space<semaphore_mem>>) src(%arg6 : memref<80x512xf32, #tpu.memory_space<vmem>>) dst(%dma_wait3A_75 : memref<80x512xf32, #tpu.memory_space<hbm>>)
          tpu.yield
        }) : () -> ()
        %add3A_61 = arith.constant 3 : i32
        %add3A_62 = arith.addi %add3A_32, %add3A_61 : i32
        %lt3A_63 = arith.constant 20 : i32
        %lt3A_64 = arith.cmpi slt, %add3A_62, %lt3A_63 : i32
        %convert_element_type3A_65 = arith.extui %lt3A_64 : i1 to i32
        %cond3A_66 = arith.constant 0 : i32
        %cond3A_67 = arith.cmpi ne, %convert_element_type3A_65, %cond3A_66 : i32
        scf.if %cond3A_67 {
          %dma_start3A_68 = arith.constant 0 : i32
          %dma_start3A_69 = tpu.memref_slice %arg5[%add3A_62, %dma_start3A_68] : memref<20x80xi32, #tpu.memory_space<vmem>> -> memref<1x80xi32, #tpu.memory_space<vmem>>
          %dma_start3A_70 = tpu.memref_squeeze %dma_start3A_69 : memref<1x80xi32, #tpu.memory_space<vmem>> -> memref<80xi32, #tpu.memory_space<vmem>>
          %dma_start3A_71 = arith.constant 0 : i32
          %dma_start3A_72 = arith.constant 0 : i32
          %dma_start3A_73 = tpu.memref_slice %arg2[%dma_start3A_71, %dma_start3A_72] : memref<1000x512xf32, #tpu.memory_space<hbm>> -> memref<1000x512xf32, #tpu.memory_space<hbm>>
          tpu.enqueue_indirect_dma source(%dma_start3A_73 : memref<1000x512xf32, #tpu.memory_space<hbm>>) target(%arg6 : memref<80x512xf32, #tpu.memory_space<vmem>>) offsets(%dma_start3A_70 : memref<80xi32, #tpu.memory_space<vmem>>) semaphore(%arg9 : memref<!tpu.dma_semaphore, #tpu.memory_space<semaphore_mem>>)
        } else {
        }
      } else {
      }
      %mul3A_35 = arith.constant 3 : i32
      %mul3A_36 = arith.muli %scan3A_28, %mul3A_35 : i32
      %add3A_37 = arith.constant 1 : i32
      %add3A_38 = arith.addi %mul3A_36, %add3A_37 : i32
      %lt3A_39 = arith.constant 20 : i32
      %lt3A_40 = arith.cmpi slt, %add3A_38, %lt3A_39 : i32
      %convert_element_type3A_41 = arith.extui %lt3A_40 : i1 to i32
      %cond3A_42 = arith.constant 0 : i32
      %cond3A_43 = arith.cmpi ne, %convert_element_type3A_41, %cond3A_42 : i32
      scf.if %cond3A_43 {
        %dma_wait3A = arith.constant 0 : i32
        %dma_wait3A_53 = tpu.memref_slice %arg5[%add3A_38, %dma_wait3A] : memref<20x80xi32, #tpu.memory_space<vmem>> -> memref<1x80xi32, #tpu.memory_space<vmem>>
        %dma_wait3A_54 = tpu.memref_squeeze %dma_wait3A_53 : memref<1x80xi32, #tpu.memory_space<vmem>> -> memref<80xi32, #tpu.memory_space<vmem>>
        %dma_wait3A_55 = arith.constant 0 : i32
        %dma_wait3A_56 = arith.constant 0 : i32
        %dma_wait3A_57 = tpu.memref_slice %arg2[%dma_wait3A_55, %dma_wait3A_56] : memref<1000x512xf32, #tpu.memory_space<hbm>> -> memref<1000x512xf32, #tpu.memory_space<hbm>>
        tpu.wait_indirect_dma semaphore(%arg10 : memref<!tpu.dma_semaphore, #tpu.memory_space<semaphore_mem>>) src(%dma_wait3A_57 : memref<1000x512xf32, #tpu.memory_space<hbm>>) dst(%arg7 : memref<80x512xf32, #tpu.memory_space<vmem>>)
        %mul3A_58 = arith.constant 80 : i32
        %mul3A_59 = arith.muli %add3A_38, %mul3A_58 : i32
        %add3A_60 = arith.addi %mul3A_2, %mul3A_59 : i32
        %multiple_of3A = tpu.assume_multiple %add3A_60, 80 : i32
        "tpu.region"() ({
          %run_scoped3A = tpu.sem_alloc : memref<!tpu.dma_semaphore, #tpu.memory_space<semaphore_mem>>
          %dma_start3A_68 = arith.constant 0 : i32
          %dma_start3A_69 = tpu.memref_slice %arg4[%multiple_of3A, %dma_start3A_68] : memref<51200x512xf32, #tpu.memory_space<hbm>> -> memref<80x512xf32, #tpu.memory_space<hbm>>
          %dma_start3A_70 = arith.constant 0 : i32
          %dma_start3A_71 = tpu.memref_slice %arg4[%multiple_of3A, %dma_start3A_70] : memref<51200x512xf32, #tpu.memory_space<hbm>> -> memref<80x512xf32, #tpu.memory_space<hbm>>
          tpu.enqueue_dma source(%arg7 : memref<80x512xf32, #tpu.memory_space<vmem>>) target(%dma_start3A_71 : memref<80x512xf32, #tpu.memory_space<hbm>>) target_semaphore(%run_scoped3A : memref<!tpu.dma_semaphore, #tpu.memory_space<semaphore_mem>>)
          %dma_wait3A_72 = arith.constant 0 : i32
          %dma_wait3A_73 = tpu.memref_slice %arg4[%multiple_of3A, %dma_wait3A_72] : memref<51200x512xf32, #tpu.memory_space<hbm>> -> memref<80x512xf32, #tpu.memory_space<hbm>>
          %dma_wait3A_74 = arith.constant 0 : i32
          %dma_wait3A_75 = tpu.memref_slice %arg4[%multiple_of3A, %dma_wait3A_74] : memref<51200x512xf32, #tpu.memory_space<hbm>> -> memref<80x512xf32, #tpu.memory_space<hbm>>
          tpu.wait_dma2 semaphore(%run_scoped3A : memref<!tpu.dma_semaphore, #tpu.memory_space<semaphore_mem>>) src(%arg7 : memref<80x512xf32, #tpu.memory_space<vmem>>) dst(%dma_wait3A_75 : memref<80x512xf32, #tpu.memory_space<hbm>>)
          tpu.yield
        }) : () -> ()
        %add3A_61 = arith.constant 3 : i32
        %add3A_62 = arith.addi %add3A_38, %add3A_61 : i32
        %lt3A_63 = arith.constant 20 : i32
        %lt3A_64 = arith.cmpi slt, %add3A_62, %lt3A_63 : i32
        %convert_element_type3A_65 = arith.extui %lt3A_64 : i1 to i32
        %cond3A_66 = arith.constant 0 : i32
        %cond3A_67 = arith.cmpi ne, %convert_element_type3A_65, %cond3A_66 : i32
        scf.if %cond3A_67 {
          %dma_start3A_68 = arith.constant 0 : i32
          %dma_start3A_69 = tpu.memref_slice %arg5[%add3A_62, %dma_start3A_68] : memref<20x80xi32, #tpu.memory_space<vmem>> -> memref<1x80xi32, #tpu.memory_space<vmem>>
          %dma_start3A_70 = tpu.memref_squeeze %dma_start3A_69 : memref<1x80xi32, #tpu.memory_space<vmem>> -> memref<80xi32, #tpu.memory_space<vmem>>
          %dma_start3A_71 = arith.constant 0 : i32
          %dma_start3A_72 = arith.constant 0 : i32
          %dma_start3A_73 = tpu.memref_slice %arg2[%dma_start3A_71, %dma_start3A_72] : memref<1000x512xf32, #tpu.memory_space<hbm>> -> memref<1000x512xf32, #tpu.memory_space<hbm>>
          tpu.enqueue_indirect_dma source(%dma_start3A_73 : memref<1000x512xf32, #tpu.memory_space<hbm>>) target(%arg7 : memref<80x512xf32, #tpu.memory_space<vmem>>) offsets(%dma_start3A_70 : memref<80xi32, #tpu.memory_space<vmem>>) semaphore(%arg10 : memref<!tpu.dma_semaphore, #tpu.memory_space<semaphore_mem>>)
        } else {
        }
      } else {
      }
      %mul3A_44 = arith.constant 3 : i32
      %mul3A_45 = arith.muli %scan3A_28, %mul3A_44 : i32
      %add3A_46 = arith.constant 2 : i32
      %add3A_47 = arith.addi %mul3A_45, %add3A_46 : i32
      %lt3A_48 = arith.constant 20 : i32
      %lt3A_49 = arith.cmpi slt, %add3A_47, %lt3A_48 : i32
      %convert_element_type3A_50 = arith.extui %lt3A_49 : i1 to i32
      %cond3A_51 = arith.constant 0 : i32
      %cond3A_52 = arith.cmpi ne, %convert_element_type3A_50, %cond3A_51 : i32
      scf.if %cond3A_52 {
        %dma_wait3A = arith.constant 0 : i32
        %dma_wait3A_53 = tpu.memref_slice %arg5[%add3A_47, %dma_wait3A] : memref<20x80xi32, #tpu.memory_space<vmem>> -> memref<1x80xi32, #tpu.memory_space<vmem>>
        %dma_wait3A_54 = tpu.memref_squeeze %dma_wait3A_53 : memref<1x80xi32, #tpu.memory_space<vmem>> -> memref<80xi32, #tpu.memory_space<vmem>>
        %dma_wait3A_55 = arith.constant 0 : i32
        %dma_wait3A_56 = arith.constant 0 : i32
        %dma_wait3A_57 = tpu.memref_slice %arg2[%dma_wait3A_55, %dma_wait3A_56] : memref<1000x512xf32, #tpu.memory_space<hbm>> -> memref<1000x512xf32, #tpu.memory_space<hbm>>
        tpu.wait_indirect_dma semaphore(%arg11 : memref<!tpu.dma_semaphore, #tpu.memory_space<semaphore_mem>>) src(%dma_wait3A_57 : memref<1000x512xf32, #tpu.memory_space<hbm>>) dst(%arg8 : memref<80x512xf32, #tpu.memory_space<vmem>>)
        %mul3A_58 = arith.constant 80 : i32
        %mul3A_59 = arith.muli %add3A_47, %mul3A_58 : i32
        %add3A_60 = arith.addi %mul3A_2, %mul3A_59 : i32
        %multiple_of3A = tpu.assume_multiple %add3A_60, 80 : i32
        "tpu.region"() ({
          %run_scoped3A = tpu.sem_alloc : memref<!tpu.dma_semaphore, #tpu.memory_space<semaphore_mem>>
          %dma_start3A_68 = arith.constant 0 : i32
          %dma_start3A_69 = tpu.memref_slice %arg4[%multiple_of3A, %dma_start3A_68] : memref<51200x512xf32, #tpu.memory_space<hbm>> -> memref<80x512xf32, #tpu.memory_space<hbm>>
          %dma_start3A_70 = arith.constant 0 : i32
          %dma_start3A_71 = tpu.memref_slice %arg4[%multiple_of3A, %dma_start3A_70] : memref<51200x512xf32, #tpu.memory_space<hbm>> -> memref<80x512xf32, #tpu.memory_space<hbm>>
          tpu.enqueue_dma source(%arg8 : memref<80x512xf32, #tpu.memory_space<vmem>>) target(%dma_start3A_71 : memref<80x512xf32, #tpu.memory_space<hbm>>) target_semaphore(%run_scoped3A : memref<!tpu.dma_semaphore, #tpu.memory_space<semaphore_mem>>)
          %dma_wait3A_72 = arith.constant 0 : i32
          %dma_wait3A_73 = tpu.memref_slice %arg4[%multiple_of3A, %dma_wait3A_72] : memref<51200x512xf32, #tpu.memory_space<hbm>> -> memref<80x512xf32, #tpu.memory_space<hbm>>
          %dma_wait3A_74 = arith.constant 0 : i32
          %dma_wait3A_75 = tpu.memref_slice %arg4[%multiple_of3A, %dma_wait3A_74] : memref<51200x512xf32, #tpu.memory_space<hbm>> -> memref<80x512xf32, #tpu.memory_space<hbm>>
          tpu.wait_dma2 semaphore(%run_scoped3A : memref<!tpu.dma_semaphore, #tpu.memory_space<semaphore_mem>>) src(%arg8 : memref<80x512xf32, #tpu.memory_space<vmem>>) dst(%dma_wait3A_75 : memref<80x512xf32, #tpu.memory_space<hbm>>)
          tpu.yield
        }) : () -> ()
        %add3A_61 = arith.constant 3 : i32
        %add3A_62 = arith.addi %add3A_47, %add3A_61 : i32
        %lt3A_63 = arith.constant 20 : i32
        %lt3A_64 = arith.cmpi slt, %add3A_62, %lt3A_63 : i32
        %convert_element_type3A_65 = arith.extui %lt3A_64 : i1 to i32
        %cond3A_66 = arith.constant 0 : i32
        %cond3A_67 = arith.cmpi ne, %convert_element_type3A_65, %cond3A_66 : i32
        scf.if %cond3A_67 {
          %dma_start3A_68 = arith.constant 0 : i32
          %dma_start3A_69 = tpu.memref_slice %arg5[%add3A_62, %dma_start3A_68] : memref<20x80xi32, #tpu.memory_space<vmem>> -> memref<1x80xi32, #tpu.memory_space<vmem>>
          %dma_start3A_70 = tpu.memref_squeeze %dma_start3A_69 : memref<1x80xi32, #tpu.memory_space<vmem>> -> memref<80xi32, #tpu.memory_space<vmem>>
          %dma_start3A_71 = arith.constant 0 : i32
          %dma_start3A_72 = arith.constant 0 : i32
          %dma_start3A_73 = tpu.memref_slice %arg2[%dma_start3A_71, %dma_start3A_72] : memref<1000x512xf32, #tpu.memory_space<hbm>> -> memref<1000x512xf32, #tpu.memory_space<hbm>>
          tpu.enqueue_indirect_dma source(%dma_start3A_73 : memref<1000x512xf32, #tpu.memory_space<hbm>>) target(%arg8 : memref<80x512xf32, #tpu.memory_space<vmem>>) offsets(%dma_start3A_70 : memref<80xi32, #tpu.memory_space<vmem>>) semaphore(%arg11 : memref<!tpu.dma_semaphore, #tpu.memory_space<semaphore_mem>>)
        } else {
        }
      } else {
      }
    }
    %scan3A_27 = arith.constant 7 : i32
    return
  }
}

module attributes {stable_mosaic.version = 14 : i64} {
  func.func @_proj_body(%arg0: memref<1000x64xf32, #tpu.memory_space<vmem>>, %arg1: memref<512x64xf32, #tpu.memory_space<vmem>>, %arg2: memref<512x1xf32, #tpu.memory_space<vmem>>, %arg3: memref<1x512xf32, #tpu.memory_space<vmem>>, %arg4: memref<1000x512xf32, #tpu.memory_space<vmem>>) attributes {dimension_semantics = [], scalar_prefetch = 0 : i64, scratch_operands = 0 : i64, tpu.core_type = #tpu.core_type<tc>} {
    %get3A = arith.constant 0 : index
    %get3A_0 = arith.constant 0 : index
    %get3A_1 = vector.load %arg1[%get3A, %get3A_0] : memref<512x64xf32, #tpu.memory_space<vmem>>, vector<512x64xf32>
    %mul3A = arith.mulf %get3A_1, %get3A_1 : vector<512x64xf32>
    %reduce_sum3A = arith.constant dense<0.000000e+00> : vector<512xf32>
    %reduce_sum3A_2 = vector.multi_reduction <add>, %mul3A, %reduce_sum3A [1] : vector<512x64xf32> to vector<512xf32>
    %broadcast_in_dim3A = vector.shape_cast %reduce_sum3A_2 : vector<512xf32> to vector<512x1xf32>
    %add3A = arith.constant 9.99999996E-13 : f32
    %add3A_3 = vector.broadcast %add3A : f32 to vector<512x1xf32>
    %add3A_4 = arith.addf %broadcast_in_dim3A, %add3A_3 : vector<512x1xf32>
    %sqrt3A = math.sqrt %add3A_4 : vector<512x1xf32>
    %get3A_5 = arith.constant 0 : index
    %get3A_6 = arith.constant 0 : index
    %get3A_7 = vector.load %arg2[%get3A_5, %get3A_6] : memref<512x1xf32, #tpu.memory_space<vmem>>, vector<512x1xf32>
    %div3A = arith.divf %get3A_7, %sqrt3A : vector<512x1xf32>
    %mul3A_8 = vector.broadcast %div3A : vector<512x1xf32> to vector<512x64xf32>
    %mul3A_9 = arith.mulf %get3A_1, %mul3A_8 : vector<512x64xf32>
    %get3A_10 = arith.constant 0 : index
    %get3A_11 = arith.constant 0 : index
    %get3A_12 = vector.load %arg0[%get3A_10, %get3A_11] : memref<1000x64xf32, #tpu.memory_space<vmem>>, vector<1000x64xf32>
    %dot_general3A = arith.constant dense<0.000000e+00> : vector<1000x512xf32>
    %dot_general3A_13 = tpu.matmul %get3A_12, %mul3A_9, %dot_general3A {dimension_numbers = #tpu.dot_dimension_numbers<[1], [1], [0], [0], [0, 0, 1, 0], [], []>, precision = #tpu.contract_precision<fp32>, transpose_lhs_hint = false} : vector<1000x64xf32>, vector<512x64xf32>, vector<1000x512xf32> -> vector<1000x512xf32>
    %get3A_14 = arith.constant 0 : index
    %get3A_15 = arith.constant 0 : index
    %get3A_16 = vector.load %arg3[%get3A_14, %get3A_15] : memref<1x512xf32, #tpu.memory_space<vmem>>, vector<1x512xf32>
    %add3A_17 = vector.broadcast %get3A_16 : vector<1x512xf32> to vector<1000x512xf32>
    %add3A_18 = arith.addf %dot_general3A_13, %add3A_17 : vector<1000x512xf32>
    %swap3A = arith.constant 0 : index
    %swap3A_19 = arith.constant 0 : index
    %swap3A_20 = vector.load %arg4[%swap3A, %swap3A_19] : memref<1000x512xf32, #tpu.memory_space<vmem>>, vector<1000x512xf32>
    tpu.vector_store %arg4[%swap3A, %swap3A_19], %add3A_18 {strides = array<i32>} : memref<1000x512xf32, #tpu.memory_space<vmem>>, vector<1000x512xf32>,
    return
  }
}

</mosaic_0001>

<sc_bundles>
// kernel: kernel.4.cloned.1.call-start
scs
__scs_entry_jumppad:
0x0: {  	(pc) =	sbr.rel $0x88, $3  }
0x1: {  	(tag) =	ssettag $0x0;
	lr =	simm.s32 $0x1  }
0x2: {  	[smem:$0x3F9C] =	sst lr;
	_ =	strace $0xD0000000  }
0x3: {  	_ = 	snop  }
0x4: {  	_ = 	snop  }
0x5: {  	_ = 	snop  }
0x6: {  	_ = 	snop  }
0x7: {  	_ = 	snop  }
__scs_overlays_trampoline_lowered:
0x8: {  	[smem:$0x3FAB] =	sst s0  }
0x9: {  	[smem:$0x3FAC] =	sst s1  }
0xa: {  	[smem:$0x3FAD] =	sst s2  }
0xb: {  	[smem:$0x3FAE] =	sst s3  }
0xc: {  	[smem:$0x3FAF] =	sst s4  }
0xd: {  	[smem:$0x3FB0] =	sst s5  }
0xe: {  	[smem:$0x3FB1] =	sst s6  }
0xf: {  	[smem:$0x3FB2] =	sst s7  }
0x10: {  	[smem:$0x3FB3] =	sst s8  }
0x11: {  	[smem:$0x3FB4] =	sst s9;
	s0 =	simm.s32 @!p0 $0x0  }
0x12: {  	s1 =	sld [smem:$0x3F9A];
	s0 =	simm.s32 @p0 $0x1  }
0x13: {  	[smem:$0x3FB5] =	sst s0;
	s0 =	simm.s32 @!p1 $0x0  }
0x14: {  	s2 =	sld [smem:$0x3F99];
	s0 =	simm.s32 @p1 $0x1  }
0x15: {  	[smem:$0x3FB6] =	sst s0;
	s0 =	simm.s32 @!p2 $0x0  }
0x16: {  	s3 =	sld [smem:$0x3FDB];
	s0 =	simm.s32 @p2 $0x1  }
0x17: {  	s4 =	simm.s32 $0x1BF5;
	[smem:$0x3FB8] =	sst s0  }
0x18: {  	s0 =	sld [smem:$0x3F9B];
	_ =	swait.ge [sflag:s4], $0x0  }
0x19: {  	s7 =	sld [smem:$0x3F9C]  }
0x1a: {  	s8 =	sadd.s32 $0xFFFFE003, lr  }
0x1b: {  	s9 =	sadd.s32 $0xFFFFFEF7, lr;
	s5 =	simm.s32 $0xFFFFFFFF;
	p2 =	slt.u32 s8, $0xFFFFF086  }
0x1c: {  	p1 =	slt.u32 s9, $0xF7A;
	s5 =	simm.s32 @!p2 $0x0  }
0x1d: {  	s5 =	simm.s32 @p1 $0x1;
	p0 =	seq.s32 s7, s2  }
0x1e: {  	s7 =	smul.u32 @!p0 $0xF7A, s2;
	p2 =	seq.s32 @!p0 s5, $0x0  }
0x1f: {  	s9 =	smul.u32 $0xF7A, s1;
	s8 =	simm.s32 @!p0 $0x1BF5;
	p2 =	por !p2, p0  }
0x20: {  	[sflag:s8] =	ssyncset.s32 @!p0 $0xFFFFF086;
	s6 =	sadd.s32 @!p0 s3, s7;
	s7 =	simm.s32 @!p0 $0x108  }
0x21: {  	s3 =	sadd.s32 s3, s9;
	s6 =	sadd.s32 @!p0 $0x88, s6;
	s7 =	simm.s32 @p2 $0x1082  }
0x22: {  	[simem:s7], [sflag:s8] =	dma.local @!p0 [hbm:s6], $0xF7A  }
0x23: {  	s9 =	sor.u32 $0xD0000000, s2;
	s6 =	simm.s32 $0x108;
	_ =	swait.ge @!p0 [sflag:s8], $0x0  }
0x24: {  	s3 =	sadd.s32 $0x88, s3;
	s6 =	simm.s32 @!p1 $0x1082;
	[sflag:s4] =	ssyncset.s32 $0xFFFFF086  }
0x25: {  	[simem:s6], [sflag:s4] =	dma.local [hbm:s3], $0xF7A  }
0x26: {  	[smem:$0x3F9C] =	sst s1;
	(tag) =	ssettag s2;
	_ =	strace s9  }
0x27: {  	s1 =	sld [smem:$0x3FAC]  }
0x28: {  	s2 =	sld [smem:$0x3FAD]  }
0x29: {  	s4 =	sld [smem:$0x3FAF]  }
0x2a: {  	p0 =	seq.s32 s5, $0x0;
	s5 =	sld [smem:$0x3FB0]  }
0x2b: {  	s6 =	sld [smem:$0x3FB1]  }
0x2c: {  	s7 =	sld [smem:$0x3FB2]  }
0x2d: {  	s3 =	simm.s32 $0x108;
	s8 =	sld [smem:$0x3FB3]  }
0x2e: {  	s3 =	simm.s32 @!p0 $0x1082;
	s9 =	sld [smem:$0x3FB4]  }
0x2f: {  	lr =	sadd.s32 s0, s3;
	s0 =	sld [smem:$0x3FAB]  }
0x30: {  	s3 =	sld [smem:$0x3FAE]  }
0x31: {  	[smem:$0x3FB7] =	sst s10  }
0x32: {  	s10 =	sld [smem:$0x3FB5];
	_ =	sdelay $0x3  }
0x33: {  	p0 =	seq.s32 s10, $0x1;
	s10 =	sld [smem:$0x3FB7];
	_ =	sdelay $0x3  }
0x34: {  	[smem:$0x3FB7] =	sst s10  }
0x35: {  	s10 =	sld [smem:$0x3FB6];
	_ =	sdelay $0x3  }
0x36: {  	p1 =	seq.s32 s10, $0x1;
	s10 =	sld [smem:$0x3FB7];
	_ =	sdelay $0x3  }
0x37: {  	[smem:$0x3FB7] =	sst s10  }
0x38: {  	s10 =	sld [smem:$0x3FB8]  }
0x39: {  	_ = 	snop;
	(pc) =	sbr.ind lr, $3  }
0x3a: {  	_ = 	snop  }
0x3b: {  	_ = 	snop  }
0x3c: {  	p2 =	seq.s32 s10, $0x1;
	s10 =	sld [smem:$0x3FB7]  }
0x3d: {  	_ =	shalt  }
0x3e: {  	_ =	shalt  }
0x3f: {  	_ =	shalt  }
0x40: {  	_ =	shalt  }
0x41: {  	_ =	shalt  }
0x42: {  	_ =	shalt  }
0x43: {  	_ =	shalt  }
0x44: {  	_ =	shalt  }
0x45: {  	_ =	shalt  }
0x46: {  	_ =	shalt  }
0x47: {  	_ =	shalt  }
0x48: {  	_ =	shalt  }
0x49: {  	_ =	shalt  }
0x4a: {  	_ =	shalt  }
0x4b: {  	_ =	shalt  }
0x4c: {  	_ =	shalt  }
0x4d: {  	_ =	shalt  }
0x4e: {  	_ =	shalt  }
0x4f: {  	_ =	shalt  }
0x50: {  	_ =	shalt  }
0x51: {  	_ =	shalt  }
0x52: {  	_ =	shalt  }
0x53: {  	_ =	shalt  }
0x54: {  	_ =	shalt  }
0x55: {  	_ =	shalt  }
0x56: {  	_ =	shalt  }
0x57: {  	_ =	shalt  }
0x58: {  	_ =	shalt  }
0x59: {  	_ =	shalt  }
0x5a: {  	_ =	shalt  }
0x5b: {  	_ =	shalt  }
0x5c: {  	_ =	shalt  }
0x5d: {  	_ =	shalt  }
0x5e: {  	_ =	shalt  }
0x5f: {  	_ =	shalt  }
0x60: {  	_ =	shalt  }
0x61: {  	_ =	shalt  }
0x62: {  	_ =	shalt  }
0x63: {  	_ =	shalt  }
0x64: {  	_ =	shalt  }
0x65: {  	_ =	shalt  }
0x66: {  	_ =	shalt  }
0x67: {  	_ =	shalt  }
0x68: {  	_ =	shalt  }
0x69: {  	_ =	shalt  }
0x6a: {  	_ =	shalt  }
0x6b: {  	_ =	shalt  }
0x6c: {  	_ =	shalt  }
0x6d: {  	_ =	shalt  }
0x6e: {  	_ =	shalt  }
0x6f: {  	_ =	shalt  }
0x70: {  	_ =	shalt  }
0x71: {  	_ =	shalt  }
0x72: {  	_ =	shalt  }
0x73: {  	_ =	shalt  }
0x74: {  	_ =	shalt  }
0x75: {  	_ =	shalt  }
0x76: {  	_ =	shalt  }
0x77: {  	_ =	shalt  }
0x78: {  	_ =	shalt  }
0x79: {  	_ =	shalt  }
0x7a: {  	_ =	shalt  }
0x7b: {  	_ =	shalt  }
0x7c: {  	_ =	shalt  }
0x7d: {  	_ =	shalt  }
0x7e: {  	_ =	shalt  }
0x7f: {  	_ =	shalt  }
0x80: {  	_ =	shalt  }
0x81: {  	_ =	shalt  }
0x82: {  	_ =	shalt  }
0x83: {  	_ =	shalt  }
0x84: {  	_ =	shalt  }
0x85: {  	_ =	shalt  }
0x86: {  	_ =	shalt  }
0x87: {  	_ =	shalt  }
.Lfunc_end0:
.L_simem_size_0:
called_computation_lowered:
.L_overlay_start_0:
0x88: {  	s2 =	sld [smem:$0x3FD9]  }
0x89: {  	s3 =	sld [smem:$0x3FFE];
	_ =	sdelay $0x1  }
0x8a: {  	s1 =	srdreg.scid  }
0x8b: {  	s0 =	sand.u32 $0x1, s1  }
0x8c: {  	s17 =	sshll.u32 s0, $0xA;
	s2 =	sadd.s32 s3, s2  }
0x8d: {  	s2 =	sadd.s32 s2, s17  }
0x8e: {  	[smem:$0x3FC3] =	sst s2  }
0x8f: {  	_ = 	snop  }
0x90: {  	s2 =	sld [smem:$0x3FD0];
	(tm) =	ssettm $0x1  }
0x91: {  	s18 =	sld [smem:$0x3FFB];
	_ =	sdelay $0x3  }
0x92: {  	_ =	strace s18  }
0x93: {  	s3 =	sld [smem:$0x3FFC];
	_ =	sdelay $0x3  }
0x94: {  	_ =	strace s3  }
0x95: {  	s3 =	sld [smem:$0x3FFD];
	_ =	sdelay $0x3  }
0x96: {  	_ =	strace s3  }
0x97: {  	_ =	strace $0x8FFFFFFF  }
0x98: {  	s19 =	sld [smem:$0x3FDB];
	_ =	sdelay $0x1  }
0x99: {  	s4 =	simm.s32 $_scs_section_size  }
0x9a: {  	s5 =	simm.s32 $_size__tile_overlayer_lowered;
	s6 =	simm.s32 $_tile_overlayer_lowered  }
0x9b: {  	s22 =	simm.s32 $0x1BFF;
	s21 =	sshll.u32 s6, $0x1;
	s3 =	sadd.s32 s4, s19  }
0x9c: {  	s7 =	simm.s32 $0x0;
	s20 =	sshll.u32 s5, $0x1;
	s5 =	sadd.s32 s21, s3  }
0x9d: {  	[timem:s7], [sflag:s22] =	dma.local [hbm:s5], s20  }
0x9e: {  	_ =	swait.ge [sflag:s22], s20  }
0x9f: {  	s4 =	ssub.s32 $0x0, s20;
	[sflag:s22] =	ssyncset.done $0x0  }
0xa0: {  	[sflag:s22] =	ssyncadd.s32 s4;
	_ =	sdelay $0x1  }
0xa1: {  	s23 =	simm.s32 $0x1B8B  }
0xa2: {  	_ =	swait.ge [sflag:s23], $0x1  }
0xa3: {  	[sflag:s23] =	ssyncset.done $0x0  }
0xa4: {  	s25 =	simm.s32 $0x1B8E;
	s24 =	sld [smem:$0x3FFE];
	[sflag:s23] =	ssyncadd.s32 $0xFFFFFFFF  }
0xa5: {  	s26 =	simm.s32 $execute0_lowered;
	[smem:$0x3FD2] =	sst s25  }
0xa6: {  	s5 =	sshll.u32 s26, $0x1;
	_ =	strace $0x80000046;
	[dreg:$0x1] =	wrdreg $0xFFFFFFFF  }
0xa7: {  	s28 =	simm.s32 $_size_execute0_lowered;
	s3 =	sadd.s32 s3, s5;
	[dreg:$0x0] =	wrdreg $0x0  }
0xa8: {  	s5 =	sshll.u32 s28, $0x1;
	[dreg:$0x2] =	wrdreg s3  }
0xa9: {  	[dreg:$0x3] =	wrdreg s5  }
0xaa: {  	[dreg:$0x4] =	wrdreg $0xC0  }
0xab: {  	_ =	task [dreg:s7], $0x5FFFF  }
0xac: {  	[dreg:$0x1] =	wrdreg $0xFFFFFFFF  }
0xad: {  	[dreg:$0x0] =	wrdreg $0x60  }
0xae: {  	[dreg:$0x2] =	wrdreg s24  }
0xaf: {  	[dreg:$0x3] =	wrdreg s2  }
0xb0: {  	[dreg:$0x4] =	wrdreg $0x9  }
0xb1: {  	_ =	task.clear_ibuf [dreg:s7], $0x5FFFF;
	_ =	strace $0x90000046  }
0xb2: {  	s29 =	simm.s32 $0x9;
	_ =	strace $0x80000048  }
0xb3: {  	_ =	swait.ge [sflag:s29], $0x1  }
0xb4: {  	[sflag:s29] =	ssyncadd.s32 $0xFFFFFFFF  }
0xb5: {  	_ =	strace $0x90000048  }
0xb6: {  	_ =	sfence  }
0xb7: {  	s30 =	sld [smem:$0x0];
	_ =	sdelay $0x2  }
0xb8: {  	s31 =	sshll.u32 s1, $0xD;
	s1 =	sshrl.u32 s1, $0x2  }
0xb9: {  	s3 =	sand.u32 $0x4000, s31;
	s1 =	sadd.s32 s1, s30  }
0xba: {  	s0 =	sor.u32 s3, s0;
	s1 =	sshll.u32 s1, $0x11  }
0xbb: {  	s0 =	sor.u32 s1, s0  }
0xbc: {  	s0 =	sadd.s32 $0x8F2B, s0  }
0xbd: {  	[sflag:s0] =	ssyncadd.remote.s32 $0x1  }
0xbe: {  	_ =	sfence.sel $0xFFFF  }
0xbf: {  	[dreg:$0x0] =	wrdreg $0xFFFFFFFF;
	(pc) =	sbr.abs _section_cstart, $3  }
0xc0: {  	[dreg:$0x1] =	wrdreg $0xFFFFFFFF  }
0xc1: {  	_ =	task.clear_ibuf [dreg:s7], $0x2FFFF;
	_ =	strace $0x9FFFFFFF  }
0xc2: {  	(tm) =	ssettm $0x7FFFFFFF  }
0xc3: {  	_ =	shalt  }
tec
execute0_lowered:
.L_overlay_start_1:
0x0: {  	(tag) =	ssettag $0x1  }
0x1: {  	s0 =	rddreg [dreg:$0x0];
	s1 =	srdreg.scid  }
0x2: {  	s8 =	stileid.u32;
	s4 =	rddreg [dreg:$0x1]  }
0x3: {  	s2 =	simm.s32 $0x0;
	s9 =	simm.s32 $0xC00;
	s30 =	simm.s32 $0xAC00  }
0x4: {  	s10 =	simm.s32 $0xDC00;
	s11 =	simm.s32 $0xE400;
	s12 =	simm.s32 $0xEC00  }
0x5: {  	s13 =	simm.s32 $0xF400;
	s14 =	simm.s32 $0xFC00;
	s15 =	simm.s32 $0x10400  }
0x6: {  	s16 =	simm.s32 $0x10C00;
	s17 =	simm.s32 $0x11400;
	s18 =	simm.s32 $0x11C00  }
0x7: {  	s19 =	simm.s32 $0x12400;
	s20 =	simm.s32 $0x12C00;
	s21 =	simm.s32 $0x13400  }
0x8: {  	s22 =	simm.s32 $0x13C00;
	s23 =	simm.s32 $0x14400;
	s24 =	simm.s32 $0x14C00  }
0x9: {  	s29 =	simm.s32 $0x1;
	s25 =	simm.s32 $0x2;
	s1 =	sand.u32 $0x1, s1  }
0xa: {  	s3 =	sshll.u32 s8, $0x1;
	[smem:$0x7FF] =	sst s2;
	s8 =	smul.u32 $0x32000, s8  }
0xb: {  	s3 =	sor.u32 s1, s3;
	s6 =	ssub.s32 $0x2, s1;
	s1 =	smul.u32 $0x19000, s1  }
0xc: {  	s26 =	simm.s32 $0x3;
	_ =	strace $0x80000047;
	s5 =	smul.u32 $0x180, s3  }
.Ltmp0:
0xd: {  	s3 =	sadd.s32 $0x3800, s0;
	s7 =	sshrl.u32 s6, $0x1;
	(pc) =	sbr.rel .LBB2_1-.Ltmp0, $4  }
0xe: {  	s31 =	sadd.s32 s8, s4;
	s8 =	simm.s32 $0x4;
	s6 =	ssub.s32 s6, s7  }
0xf: {  	v2 =	vlaneseq.u32;
	s7 =	sadd.s32 s1, s31;
	s5 =	sadd.s32 s5, s0;
	s28 =	smax.u32 s6, $0x1  }
0x10: {  	vm0 =	vmmov $0xffff;
	v1 =	vshrl.u32 v2, $0x3;
	s1 =	simm.s32 $0x0;
	s5 =	sadd.s32 $0x800, s5;
	[dreg:$0x4] =	wrdreg s28  }
0x11: {  	v0 =	vand.u32 $0x7, v2;
	v2 =	vor.u32 $0x8, v2;
	v1 =	vmul.u32 $0x8, v1;
	s6 =	simm.s32 $0xD400;
	[dreg:$0x3] =	wrdreg s5;
	s5 =	sadd.s32 $0x3900, s0  }
.LBB2_8:
0x12: {  	s1 =	rddreg [dreg:$0x5]  }
0x13: {  	s0 =	rddreg [dreg:$0x4];
	s1 =	sadd.s32 $0x1, s1  }
0x14: {  	p0 =	sne.s32 s1, s0  }
.Ltmp1:
0x15: {  	_ = 	snop;
	(pc) =	sbr.rel @!p0 .LBB2_9-.Ltmp1, $1  }
0x16: {  	_ =	sdelay $0x3  }
.LBB2_1:
0x17: {  	[dreg:$0x5] =	wrdreg s1  }
0x18: {  	s0 =	rddreg [dreg:$0x3]  }
0x19: {  	[tilespmem:s2], [sflag:$0x4] =	stream.linear.gather [hbm4b:s0+s2], $0xA00, $0x38;
	[tilespmem:$0x1EC00] =	vst v63  }
0x1a: {  	_ =	swait.ge [sflag:s8], $0xA00  }
0x1b: {  	[sflag:s8] =	ssyncset.done $0x0  }
0x1c: {  	[sflag:s8] =	ssyncadd.s32 $0xFFFFF600  }
0x1d: {  	v3 =	vld [tilespmem:$0x0];
	_ =	sdelay $0x4  }
0x1e: {  	v4 =	vshll.u32 v3, $0x2  }
0x1f: {  	v3 =	vand.u32 $0x7, v3;
	v4 =	vand.u32 $0xFFFFFFE0, v4  }
0x20: {  	v3 =	vor.u32 v3, v4  }
0x21: {  	v4 =	vperm.xlane v3, v0;
	_ =	sdelay $0x1  }
0x22: {  	v4 =	vadd.s32 v1, v4;
	_ =	sdelay $0x1  }
0x23: {  	v3 =	vperm.xlane v3, v2;
	_ =	sdelay $0x1  }
0x24: {  	v3 =	vadd.s32 v1, v3  }
0x25: {  	[tilespmem:s9], [sflag:$0x1] =	stream.indirect_vreg.gather [hbm4b:s3+s2], $0x80, v4, vm0, $0xb8;
	[tilespmem:$0x1EC00] =	vst v63  }
0x26: {  	s1 =	simm.s32 $0x1400  }
0x27: {  	[tilespmem:s1], [sflag:$0x1] =	stream.indirect_vreg.gather [hbm4b:s5+s2], $0x80, v4, vm0, $0xb8;
	[tilespmem:$0x1EC00] =	vst v63  }
0x28: {  	s4 =	simm.s32 $0x1C00  }
0x29: {  	[tilespmem:s4], [sflag:$0x1] =	stream.indirect_vreg.gather [hbm4b:s3+s2], $0x80, v3, vm0, $0xb8;
	[tilespmem:$0x1EC00] =	vst v63  }
0x2a: {  	s1 =	simm.s32 $0x2400  }
0x2b: {  	[tilespmem:s1], [sflag:$0x1] =	stream.indirect_vreg.gather [hbm4b:s5+s2], $0x80, v3, vm0, $0xb8;
	[tilespmem:$0x1EC00] =	vst v63  }
0x2c: {  	v3 =	vld [tilespmem:$0x10];
	_ =	sdelay $0x4  }
0x2d: {  	v50 =	vshll.u32 v3, $0x2  }
0x2e: {  	v3 =	vand.u32 $0x7, v3;
	v4 =	vand.u32 $0xFFFFFFE0, v50  }
0x2f: {  	v3 =	vor.u32 v3, v4  }
0x30: {  	v4 =	vperm.xlane v3, v0;
	_ =	sdelay $0x1  }
0x31: {  	v4 =	vadd.s32 v1, v4;
	_ =	sdelay $0x1  }
0x32: {  	v3 =	vperm.xlane v3, v2;
	_ =	sdelay $0x1  }
0x33: {  	s4 =	simm.s32 $0x2C00;
	v3 =	vadd.s32 v1, v3  }
0x34: {  	[tilespmem:s4], [sflag:$0x1] =	stream.indirect_vreg.gather [hbm4b:s3+s2], $0x80, v4, vm0, $0xb8;
	[tilespmem:$0x1EC00] =	vst v63  }
0x35: {  	s1 =	simm.s32 $0x3400  }
0x36: {  	[tilespmem:s1], [sflag:$0x1] =	stream.indirect_vreg.gather [hbm4b:s5+s2], $0x80, v4, vm0, $0xb8;
	[tilespmem:$0x1EC00] =	vst v63  }
0x37: {  	s4 =	simm.s32 $0x3C00  }
0x38: {  	[tilespmem:s4], [sflag:$0x1] =	stream.indirect_vreg.gather [hbm4b:s3+s2], $0x80, v3, vm0, $0xb8;
	[tilespmem:$0x1EC00] =	vst v63  }
0x39: {  	s1 =	simm.s32 $0x4400  }
0x3a: {  	[tilespmem:s1], [sflag:$0x1] =	stream.indirect_vreg.gather [hbm4b:s5+s2], $0x80, v3, vm0, $0xb8;
	[tilespmem:$0x1EC00] =	vst v63  }
0x3b: {  	v3 =	vld [tilespmem:$0x20];
	_ =	sdelay $0x4  }
0x3c: {  	v51 =	vshll.u32 v3, $0x2  }
0x3d: {  	v3 =	vand.u32 $0x7, v3;
	v4 =	vand.u32 $0xFFFFFFE0, v51  }
0x3e: {  	v3 =	vor.u32 v3, v4  }
0x3f: {  	v4 =	vperm.xlane v3, v0;
	_ =	sdelay $0x1  }
0x40: {  	v4 =	vadd.s32 v1, v4;
	_ =	sdelay $0x1  }
0x41: {  	v3 =	vperm.xlane v3, v2;
	_ =	sdelay $0x1  }
0x42: {  	s4 =	simm.s32 $0x4C00;
	v3 =	vadd.s32 v1, v3  }
0x43: {  	[tilespmem:s4], [sflag:$0x1] =	stream.indirect_vreg.gather [hbm4b:s3+s2], $0x80, v4, vm0, $0xb8;
	[tilespmem:$0x1EC00] =	vst v63  }
0x44: {  	s1 =	simm.s32 $0x5400  }
0x45: {  	[tilespmem:s1], [sflag:$0x1] =	stream.indirect_vreg.gather [hbm4b:s5+s2], $0x80, v4, vm0, $0xb8;
	[tilespmem:$0x1EC00] =	vst v63  }
0x46: {  	s4 =	simm.s32 $0x5C00  }
0x47: {  	[tilespmem:s4], [sflag:$0x1] =	stream.indirect_vreg.gather [hbm4b:s3+s2], $0x80, v3, vm0, $0xb8;
	[tilespmem:$0x1EC00] =	vst v63  }
0x48: {  	s1 =	simm.s32 $0x6400  }
0x49: {  	[tilespmem:s1], [sflag:$0x1] =	stream.indirect_vreg.gather [hbm4b:s5+s2], $0x80, v3, vm0, $0xb8;
	[tilespmem:$0x1EC00] =	vst v63  }
0x4a: {  	v3 =	vld [tilespmem:$0x30];
	_ =	sdelay $0x4  }
0x4b: {  	v52 =	vshll.u32 v3, $0x2  }
0x4c: {  	v3 =	vand.u32 $0x7, v3;
	v4 =	vand.u32 $0xFFFFFFE0, v52  }
0x4d: {  	v3 =	vor.u32 v3, v4  }
0x4e: {  	v4 =	vperm.xlane v3, v0;
	_ =	sdelay $0x1  }
0x4f: {  	v4 =	vadd.s32 v1, v4;
	_ =	sdelay $0x1  }
0x50: {  	v3 =	vperm.xlane v3, v2;
	_ =	sdelay $0x1  }
0x51: {  	s4 =	simm.s32 $0x6C00;
	v3 =	vadd.s32 v1, v3  }
0x52: {  	[tilespmem:s4], [sflag:$0x1] =	stream.indirect_vreg.gather [hbm4b:s3+s2], $0x80, v4, vm0, $0xb8;
	[tilespmem:$0x1EC00] =	vst v63  }
0x53: {  	s1 =	simm.s32 $0x7400  }
0x54: {  	[tilespmem:s1], [sflag:$0x1] =	stream.indirect_vreg.gather [hbm4b:s5+s2], $0x80, v4, vm0, $0xb8;
	[tilespmem:$0x1EC00] =	vst v63  }
0x55: {  	s4 =	simm.s32 $0x7C00  }
0x56: {  	[tilespmem:s4], [sflag:$0x1] =	stream.indirect_vreg.gather [hbm4b:s3+s2], $0x80, v3, vm0, $0xb8;
	[tilespmem:$0x1EC00] =	vst v63  }
0x57: {  	s1 =	simm.s32 $0x8400  }
0x58: {  	[tilespmem:s1], [sflag:$0x1] =	stream.indirect_vreg.gather [hbm4b:s5+s2], $0x80, v3, vm0, $0xb8;
	[tilespmem:$0x1EC00] =	vst v63  }
0x59: {  	v3 =	vld [tilespmem:$0x40];
	_ =	sdelay $0x4  }
0x5a: {  	v53 =	vshll.u32 v3, $0x2  }
0x5b: {  	v3 =	vand.u32 $0x7, v3;
	v4 =	vand.u32 $0xFFFFFFE0, v53  }
0x5c: {  	v3 =	vor.u32 v3, v4  }
0x5d: {  	v4 =	vperm.xlane v3, v0;
	_ =	sdelay $0x1  }
0x5e: {  	v4 =	vadd.s32 v1, v4;
	_ =	sdelay $0x1  }
0x5f: {  	v3 =	vperm.xlane v3, v2;
	_ =	sdelay $0x1  }
0x60: {  	s4 =	simm.s32 $0x8C00;
	v3 =	vadd.s32 v1, v3  }
0x61: {  	[tilespmem:s4], [sflag:$0x1] =	stream.indirect_vreg.gather [hbm4b:s3+s2], $0x80, v4, vm0, $0xb8;
	[tilespmem:$0x1EC00] =	vst v63  }
0x62: {  	s1 =	simm.s32 $0x9400  }
0x63: {  	[tilespmem:s1], [sflag:$0x1] =	stream.indirect_vreg.gather [hbm4b:s5+s2], $0x80, v4, vm0, $0xb8;
	[tilespmem:$0x1EC00] =	vst v63  }
0x64: {  	s4 =	simm.s32 $0x9C00  }
0x65: {  	[tilespmem:s4], [sflag:$0x1] =	stream.indirect_vreg.gather [hbm4b:s3+s2], $0x80, v3, vm0, $0xb8;
	[tilespmem:$0x1EC00] =	vst v63  }
0x66: {  	s1 =	simm.s32 $0xA400  }
0x67: {  	[tilespmem:s1], [sflag:$0x1] =	stream.indirect_vreg.gather [hbm4b:s5+s2], $0x80, v3, vm0, $0xb8;
	[tilespmem:$0x1EC00] =	vst v63  }
0x68: {  	v3 =	vld [tilespmem:$0x80];
	_ =	sdelay $0x4  }
0x69: {  	v54 =	vshll.u32 v3, $0x2  }
0x6a: {  	v3 =	vand.u32 $0x7, v3;
	v4 =	vand.u32 $0xFFFFFFE0, v54  }
0x6b: {  	v3 =	vor.u32 v3, v4  }
0x6c: {  	v4 =	vperm.xlane v3, v0;
	_ =	sdelay $0x1  }
0x6d: {  	v4 =	vadd.s32 v1, v4;
	_ =	sdelay $0x1  }
0x6e: {  	v3 =	vperm.xlane v3, v2;
	_ =	sdelay $0x1  }
0x6f: {  	v3 =	vadd.s32 v1, v3  }
0x70: {  	[tilespmem:s30], [sflag:$0x2] =	stream.indirect_vreg.gather [hbm4b:s3+s2], $0x80, v4, vm0, $0xb8;
	[tilespmem:$0x1EC00] =	vst v63  }
0x71: {  	s4 =	simm.s32 $0xB400  }
0x72: {  	[tilespmem:s4], [sflag:$0x2] =	stream.indirect_vreg.gather [hbm4b:s5+s2], $0x80, v4, vm0, $0xb8;
	[tilespmem:$0x1EC00] =	vst v63  }
0x73: {  	s1 =	simm.s32 $0xBC00  }
0x74: {  	[tilespmem:s1], [sflag:$0x2] =	stream.indirect_vreg.gather [hbm4b:s3+s2], $0x80, v3, vm0, $0xb8;
	[tilespmem:$0x1EC00] =	vst v63  }
0x75: {  	s4 =	simm.s32 $0xC400  }
0x76: {  	[tilespmem:s4], [sflag:$0x2] =	stream.indirect_vreg.gather [hbm4b:s5+s2], $0x80, v3, vm0, $0xb8;
	[tilespmem:$0x1EC00] =	vst v63  }
0x77: {  	v3 =	vld [tilespmem:$0x90];
	_ =	sdelay $0x4  }
0x78: {  	v55 =	vshll.u32 v3, $0x2  }
0x79: {  	v3 =	vand.u32 $0x7, v3;
	v4 =	vand.u32 $0xFFFFFFE0, v55  }
0x7a: {  	v3 =	vor.u32 v3, v4  }
0x7b: {  	v4 =	vperm.xlane v3, v0;
	_ =	sdelay $0x1  }
0x7c: {  	v4 =	vadd.s32 v1, v4;
	_ =	sdelay $0x1  }
0x7d: {  	v3 =	vperm.xlane v3, v2;
	_ =	sdelay $0x1  }
0x7e: {  	s1 =	simm.s32 $0xCC00;
	v3 =	vadd.s32 v1, v3  }
0x7f: {  	[tilespmem:s1], [sflag:$0x2] =	stream.indirect_vreg.gather [hbm4b:s3+s2], $0x80, v4, vm0, $0xb8;
	[tilespmem:$0x1EC00] =	vst v63  }
0x80: {  	_ = 	snop  }
0x81: {  	[tilespmem:s6], [sflag:$0x2] =	stream.indirect_vreg.gather [hbm4b:s5+s2], $0x80, v4, vm0, $0xb8;
	[tilespmem:$0x1EC00] =	vst v63  }
0x82: {  	_ = 	snop  }
0x83: {  	[tilespmem:s10], [sflag:$0x2] =	stream.indirect_vreg.gather [hbm4b:s3+s2], $0x80, v3, vm0, $0xb8;
	[tilespmem:$0x1EC00] =	vst v63  }
0x84: {  	_ = 	snop  }
0x85: {  	[tilespmem:s11], [sflag:$0x2] =	stream.indirect_vreg.gather [hbm4b:s5+s2], $0x80, v3, vm0, $0xb8;
	[tilespmem:$0x1EC00] =	vst v63  }
0x86: {  	v3 =	vld [tilespmem:$0xA0];
	_ =	sdelay $0x4  }
0x87: {  	v56 =	vshll.u32 v3, $0x2  }
0x88: {  	v3 =	vand.u32 $0x7, v3;
	v4 =	vand.u32 $0xFFFFFFE0, v56  }
0x89: {  	v3 =	vor.u32 v3, v4  }
0x8a: {  	v4 =	vperm.xlane v3, v0;
	_ =	sdelay $0x1  }
0x8b: {  	v4 =	vadd.s32 v1, v4;
	_ =	sdelay $0x1  }
0x8c: {  	v3 =	vperm.xlane v3, v2;
	_ =	sdelay $0x1  }
0x8d: {  	v3 =	vadd.s32 v1, v3  }
0x8e: {  	[tilespmem:s12], [sflag:$0x2] =	stream.indirect_vreg.gather [hbm4b:s3+s2], $0x80, v4, vm0, $0xb8;
	[tilespmem:$0x1EC00] =	vst v63  }
0x8f: {  	_ = 	snop  }
0x90: {  	[tilespmem:s13], [sflag:$0x2] =	stream.indirect_vreg.gather [hbm4b:s5+s2], $0x80, v4, vm0, $0xb8;
	[tilespmem:$0x1EC00] =	vst v63  }
0x91: {  	_ = 	snop  }
0x92: {  	[tilespmem:s14], [sflag:$0x2] =	stream.indirect_vreg.gather [hbm4b:s3+s2], $0x80, v3, vm0, $0xb8;
	[tilespmem:$0x1EC00] =	vst v63  }
0x93: {  	_ = 	snop  }
0x94: {  	[tilespmem:s15], [sflag:$0x2] =	stream.indirect_vreg.gather [hbm4b:s5+s2], $0x80, v3, vm0, $0xb8;
	[tilespmem:$0x1EC00] =	vst v63  }
0x95: {  	v3 =	vld [tilespmem:$0xB0];
	_ =	sdelay $0x4  }
0x96: {  	v57 =	vshll.u32 v3, $0x2  }
0x97: {  	v3 =	vand.u32 $0x7, v3;
	v4 =	vand.u32 $0xFFFFFFE0, v57  }
0x98: {  	v3 =	vor.u32 v3, v4  }
0x99: {  	v4 =	vperm.xlane v3, v0;
	_ =	sdelay $0x1  }
0x9a: {  	v4 =	vadd.s32 v1, v4;
	_ =	sdelay $0x1  }
0x9b: {  	v3 =	vperm.xlane v3, v2;
	_ =	sdelay $0x1  }
0x9c: {  	v3 =	vadd.s32 v1, v3  }
0x9d: {  	[tilespmem:s16], [sflag:$0x2] =	stream.indirect_vreg.gather [hbm4b:s3+s2], $0x80, v4, vm0, $0xb8;
	[tilespmem:$0x1EC00] =	vst v63  }
0x9e: {  	_ = 	snop  }
0x9f: {  	[tilespmem:s17], [sflag:$0x2] =	stream.indirect_vreg.gather [hbm4b:s5+s2], $0x80, v4, vm0, $0xb8;
	[tilespmem:$0x1EC00] =	vst v63  }
0xa0: {  	_ = 	snop  }
0xa1: {  	[tilespmem:s18], [sflag:$0x2] =	stream.indirect_vreg.gather [hbm4b:s3+s2], $0x80, v3, vm0, $0xb8;
	[tilespmem:$0x1EC00] =	vst v63  }
0xa2: {  	_ = 	snop  }
0xa3: {  	[tilespmem:s19], [sflag:$0x2] =	stream.indirect_vreg.gather [hbm4b:s5+s2], $0x80, v3, vm0, $0xb8;
	[tilespmem:$0x1EC00] =	vst v63  }
0xa4: {  	v3 =	vld [tilespmem:$0xC0];
	_ =	sdelay $0x4  }
0xa5: {  	v58 =	vshll.u32 v3, $0x2  }
0xa6: {  	v3 =	vand.u32 $0x7, v3;
	v4 =	vand.u32 $0xFFFFFFE0, v58  }
0xa7: {  	v3 =	vor.u32 v3, v4  }
0xa8: {  	v4 =	vperm.xlane v3, v0;
	_ =	sdelay $0x1  }
0xa9: {  	v4 =	vadd.s32 v1, v4;
	_ =	sdelay $0x1  }
0xaa: {  	v3 =	vperm.xlane v3, v2;
	_ =	sdelay $0x1  }
0xab: {  	v3 =	vadd.s32 v1, v3  }
0xac: {  	[tilespmem:s20], [sflag:$0x2] =	stream.indirect_vreg.gather [hbm4b:s3+s2], $0x80, v4, vm0, $0xb8;
	[tilespmem:$0x1EC00] =	vst v63  }
0xad: {  	_ = 	snop  }
0xae: {  	[tilespmem:s21], [sflag:$0x2] =	stream.indirect_vreg.gather [hbm4b:s5+s2], $0x80, v4, vm0, $0xb8;
	[tilespmem:$0x1EC00] =	vst v63  }
0xaf: {  	_ = 	snop  }
0xb0: {  	[tilespmem:s22], [sflag:$0x2] =	stream.indirect_vreg.gather [hbm4b:s3+s2], $0x80, v3, vm0, $0xb8;
	[tilespmem:$0x1EC00] =	vst v63  }
0xb1: {  	_ = 	snop  }
0xb2: {  	[tilespmem:s23], [sflag:$0x2] =	stream.indirect_vreg.gather [hbm4b:s5+s2], $0x80, v3, vm0, $0xb8;
	[tilespmem:$0x1EC00] =	vst v63  }
0xb3: {  	v3 =	vld [tilespmem:$0x100];
	_ =	sdelay $0x4  }
0xb4: {  	v59 =	vshll.u32 v3, $0x2  }
0xb5: {  	v3 =	vand.u32 $0x7, v3;
	v4 =	vand.u32 $0xFFFFFFE0, v59  }
0xb6: {  	v3 =	vor.u32 v3, v4  }
0xb7: {  	v4 =	vperm.xlane v3, v0;
	_ =	sdelay $0x1  }
0xb8: {  	v4 =	vadd.s32 v1, v4;
	_ =	sdelay $0x1  }
0xb9: {  	v3 =	vperm.xlane v3, v2;
	_ =	sdelay $0x1  }
0xba: {  	v3 =	vadd.s32 v1, v3  }
0xbb: {  	[tilespmem:s24], [sflag:$0x3] =	stream.indirect_vreg.gather [hbm4b:s3+s2], $0x80, v4, vm0, $0xb8;
	[tilespmem:$0x1EC00] =	vst v63  }
0xbc: {  	s4 =	simm.s32 $0x15400  }
0xbd: {  	[tilespmem:s4], [sflag:$0x3] =	stream.indirect_vreg.gather [hbm4b:s5+s2], $0x80, v4, vm0, $0xb8;
	[tilespmem:$0x1EC00] =	vst v63  }
0xbe: {  	s1 =	simm.s32 $0x15C00  }
0xbf: {  	[tilespmem:s1], [sflag:$0x3] =	stream.indirect_vreg.gather [hbm4b:s3+s2], $0x80, v3, vm0, $0xb8;
	[tilespmem:$0x1EC00] =	vst v63  }
0xc0: {  	s4 =	simm.s32 $0x16400  }
0xc1: {  	[tilespmem:s4], [sflag:$0x3] =	stream.indirect_vreg.gather [hbm4b:s5+s2], $0x80, v3, vm0, $0xb8;
	[tilespmem:$0x1EC00] =	vst v63  }
0xc2: {  	v3 =	vld [tilespmem:$0x110];
	_ =	sdelay $0x4  }
0xc3: {  	v60 =	vshll.u32 v3, $0x2  }
0xc4: {  	v3 =	vand.u32 $0x7, v3;
	v4 =	vand.u32 $0xFFFFFFE0, v60  }
0xc5: {  	v3 =	vor.u32 v3, v4  }
0xc6: {  	v4 =	vperm.xlane v3, v0;
	_ =	sdelay $0x1  }
0xc7: {  	v4 =	vadd.s32 v1, v4;
	_ =	sdelay $0x1  }
0xc8: {  	v3 =	vperm.xlane v3, v2;
	_ =	sdelay $0x1  }
0xc9: {  	s1 =	simm.s32 $0x16C00;
	v3 =	vadd.s32 v1, v3  }
0xca: {  	[tilespmem:s1], [sflag:$0x3] =	stream.indirect_vreg.gather [hbm4b:s3+s2], $0x80, v4, vm0, $0xb8;
	[tilespmem:$0x1EC00] =	vst v63  }
0xcb: {  	s4 =	simm.s32 $0x17400  }
0xcc: {  	[tilespmem:s4], [sflag:$0x3] =	stream.indirect_vreg.gather [hbm4b:s5+s2], $0x80, v4, vm0, $0xb8;
	[tilespmem:$0x1EC00] =	vst v63  }
0xcd: {  	s1 =	simm.s32 $0x17C00  }
0xce: {  	[tilespmem:s1], [sflag:$0x3] =	stream.indirect_vreg.gather [hbm4b:s3+s2], $0x80, v3, vm0, $0xb8;
	[tilespmem:$0x1EC00] =	vst v63  }
0xcf: {  	s4 =	simm.s32 $0x18400  }
0xd0: {  	[tilespmem:s4], [sflag:$0x3] =	stream.indirect_vreg.gather [hbm4b:s5+s2], $0x80, v3, vm0, $0xb8;
	[tilespmem:$0x1EC00] =	vst v63  }
0xd1: {  	v3 =	vld [tilespmem:$0x120];
	_ =	sdelay $0x4  }
0xd2: {  	v61 =	vshll.u32 v3, $0x2  }
0xd3: {  	v3 =	vand.u32 $0x7, v3;
	v4 =	vand.u32 $0xFFFFFFE0, v61  }
0xd4: {  	v3 =	vor.u32 v3, v4  }
0xd5: {  	v4 =	vperm.xlane v3, v0;
	_ =	sdelay $0x1  }
0xd6: {  	v4 =	vadd.s32 v1, v4;
	_ =	sdelay $0x1  }
0xd7: {  	v3 =	vperm.xlane v3, v2;
	_ =	sdelay $0x1  }
0xd8: {  	s1 =	simm.s32 $0x18C00;
	v3 =	vadd.s32 v1, v3  }
0xd9: {  	[tilespmem:s1], [sflag:$0x3] =	stream.indirect_vreg.gather [hbm4b:s3+s2], $0x80, v4, vm0, $0xb8;
	[tilespmem:$0x1EC00] =	vst v63  }
0xda: {  	s4 =	simm.s32 $0x19400  }
0xdb: {  	[tilespmem:s4], [sflag:$0x3] =	stream.indirect_vreg.gather [hbm4b:s5+s2], $0x80, v4, vm0, $0xb8;
	[tilespmem:$0x1EC00] =	vst v63  }
0xdc: {  	s1 =	simm.s32 $0x19C00  }
0xdd: {  	[tilespmem:s1], [sflag:$0x3] =	stream.indirect_vreg.gather [hbm4b:s3+s2], $0x80, v3, vm0, $0xb8;
	[tilespmem:$0x1EC00] =	vst v63  }
0xde: {  	s4 =	simm.s32 $0x1A400  }
0xdf: {  	[tilespmem:s4], [sflag:$0x3] =	stream.indirect_vreg.gather [hbm4b:s5+s2], $0x80, v3, vm0, $0xb8;
	[tilespmem:$0x1EC00] =	vst v63  }
0xe0: {  	v3 =	vld [tilespmem:$0x130];
	_ =	sdelay $0x4  }
0xe1: {  	v62 =	vshll.u32 v3, $0x2  }
0xe2: {  	v3 =	vand.u32 $0x7, v3;
	v4 =	vand.u32 $0xFFFFFFE0, v62  }
0xe3: {  	v3 =	vor.u32 v3, v4  }
0xe4: {  	v4 =	vperm.xlane v3, v0;
	_ =	sdelay $0x1  }
0xe5: {  	v4 =	vadd.s32 v1, v4;
	_ =	sdelay $0x1  }
0xe6: {  	v3 =	vperm.xlane v3, v2;
	_ =	sdelay $0x1  }
0xe7: {  	s1 =	simm.s32 $0x1AC00;
	v3 =	vadd.s32 v1, v3  }
0xe8: {  	[tilespmem:s1], [sflag:$0x3] =	stream.indirect_vreg.gather [hbm4b:s3+s2], $0x80, v4, vm0, $0xb8;
	[tilespmem:$0x1EC00] =	vst v63  }
0xe9: {  	s4 =	simm.s32 $0x1B400  }
0xea: {  	[tilespmem:s4], [sflag:$0x3] =	stream.indirect_vreg.gather [hbm4b:s5+s2], $0x80, v4, vm0, $0xb8;
	[tilespmem:$0x1EC00] =	vst v63  }
0xeb: {  	s1 =	simm.s32 $0x1BC00  }
0xec: {  	[tilespmem:s1], [sflag:$0x3] =	stream.indirect_vreg.gather [hbm4b:s3+s2], $0x80, v3, vm0, $0xb8;
	[tilespmem:$0x1EC00] =	vst v63  }
0xed: {  	s4 =	simm.s32 $0x1C400  }
0xee: {  	[tilespmem:s4], [sflag:$0x3] =	stream.indirect_vreg.gather [hbm4b:s5+s2], $0x80, v3, vm0, $0xb8;
	[tilespmem:$0x1EC00] =	vst v63  }
0xef: {  	v3 =	vld [tilespmem:$0x140];
	_ =	sdelay $0x4  }
0xf0: {  	v63 =	vshll.u32 v3, $0x2  }
0xf1: {  	v3 =	vand.u32 $0x7, v3;
	v4 =	vand.u32 $0xFFFFFFE0, v63  }
0xf2: {  	v3 =	vor.u32 v3, v4  }
0xf3: {  	v4 =	vperm.xlane v3, v0;
	_ =	sdelay $0x1  }
0xf4: {  	v4 =	vadd.s32 v1, v4;
	_ =	sdelay $0x2  }
0xf5: {  	v3 =	vperm.xlane v3, v2  }
0xf6: {  	s1 =	simm.s32 $0x1CC00  }
0xf7: {  	v3 =	vadd.s32 v1, v3;
	[tilespmem:s1], [sflag:$0x3] =	stream.indirect_vreg.gather [hbm4b:s3+s2], $0x80, v4, vm0, $0xb8;
	[tilespmem:$0x1EC00] =	vst v63  }
0xf8: {  	s4 =	simm.s32 $0x1D400  }
0xf9: {  	[tilespmem:s4], [sflag:$0x3] =	stream.indirect_vreg.gather [hbm4b:s5+s2], $0x80, v4, vm0, $0xb8;
	[tilespmem:$0x1EC00] =	vst v63  }
.Ltmp2:
0xfa: {  	_ = 	snop;
	(pc) =	sbr.rel .LBB2_2-.Ltmp2, $4  }
0xfb: {  	s28 =	simm.s32 $0x2C0;
	s1 =	simm.s32 $0x1DC00  }
0xfc: {  	[tilespmem:s1], [sflag:$0x3] =	stream.indirect_vreg.gather [hbm4b:s3+s2], $0x80, v3, vm0, $0xb8;
	[tilespmem:$0x1EC00] =	vst v63  }
0xfd: {  	s31 =	simm.s32 $0x0;
	s4 =	simm.s32 $0x1E400;
	s1 =	simm.s32 $0x0  }
0xfe: {  	[tilespmem:s4], [sflag:$0x3] =	stream.indirect_vreg.gather [hbm4b:s5+s2], $0x80, v3, vm0, $0xb8;
	[tilespmem:$0x1EC00] =	vst v63  }
.LBB2_7:
0xff: {  	s31 =	sadd.s32 $0x3C00, s31  }
0x100: {  	p0 =	sne.s32 s31, $0x1A400  }
.Ltmp3:
0x101: {  	_ = 	snop;
	(pc) =	sbr.rel @!p0 .LBB2_8-.Ltmp3, $2  }
0x102: {  	_ =	sdelay $0x2  }
0x103: {  	s1 =	sadd.s32 $0x1, s1;
	s28 =	sadd.s32 $0x180, s28  }
.LBB2_2:
0x104: {  	_ =	swait.ge [sflag:s29], $0xA000  }
0x105: {  	p0 =	seq.s32 s31, $0x16800;
	[sflag:s29] =	ssyncset.done $0x0  }
.Ltmp4:
0x106: {  	s0 =	sadd.s32 s31, s7;
	[sflag:s29] =	ssyncadd.s32 $0xFFFF6000;
	(pc) =	sbr.rel @p0 .LBB2_4-.Ltmp4, $4  }
0x107: {  	[hbm4b:s0+s2] =	stream.linear.scatter [tilespmem:s9], [sflag:$0x4], $0xA000, $0x38;
	[tilespmem:$0x1EC00] =	vst v63  }
0x108: {  	_ =	swait.ge [sflag:s8], $0xA000  }
0x109: {  	[sflag:s8] =	ssyncset.done $0x0  }
0x10a: {  	[sflag:s8] =	ssyncadd.s32 $0xFFFF6000  }
0x10b: {  	v3 =	vld [tilespmem:s28+$0xFFFFFEC0];
	_ =	sdelay $0x4  }
0x10c: {  	v4 =	vshll.u32 v3, $0x2  }
0x10d: {  	v3 =	vand.u32 $0x7, v3;
	v4 =	vand.u32 $0xFFFFFFE0, v4  }
0x10e: {  	v3 =	vor.u32 v3, v4  }
0x10f: {  	v4 =	vperm.xlane v3, v0;
	_ =	sdelay $0x1  }
0x110: {  	v4 =	vadd.s32 v1, v4;
	_ =	sdelay $0x1  }
0x111: {  	v3 =	vperm.xlane v3, v2;
	_ =	sdelay $0x1  }
0x112: {  	v3 =	vadd.s32 v1, v3  }
0x113: {  	[tilespmem:s9], [sflag:$0x1] =	stream.indirect_vreg.gather [hbm4b:s3+s2], $0x80, v4, vm0, $0xb8;
	[tilespmem:$0x1EC00] =	vst v63  }
0x114: {  	s4 =	simm.s32 $0x1400  }
0x115: {  	[tilespmem:s4], [sflag:$0x1] =	stream.indirect_vreg.gather [hbm4b:s5+s2], $0x80, v4, vm0, $0xb8;
	[tilespmem:$0x1EC00] =	vst v63  }
0x116: {  	s4 =	simm.s32 $0x1C00  }
0x117: {  	[tilespmem:s4], [sflag:$0x1] =	stream.indirect_vreg.gather [hbm4b:s3+s2], $0x80, v3, vm0, $0xb8;
	[tilespmem:$0x1EC00] =	vst v63  }
0x118: {  	s4 =	simm.s32 $0x2400  }
0x119: {  	[tilespmem:s4], [sflag:$0x1] =	stream.indirect_vreg.gather [hbm4b:s5+s2], $0x80, v3, vm0, $0xb8;
	[tilespmem:$0x1EC00] =	vst v63  }
0x11a: {  	v3 =	vld [tilespmem:s28+$0xFFFFFED0];
	_ =	sdelay $0x4  }
0x11b: {  	v60 =	vshll.u32 v3, $0x2  }
0x11c: {  	v3 =	vand.u32 $0x7, v3;
	v4 =	vand.u32 $0xFFFFFFE0, v60  }
0x11d: {  	v3 =	vor.u32 v3, v4  }
0x11e: {  	v4 =	vperm.xlane v3, v0;
	_ =	sdelay $0x1  }
0x11f: {  	v4 =	vadd.s32 v1, v4;
	_ =	sdelay $0x1  }
0x120: {  	v3 =	vperm.xlane v3, v2;
	_ =	sdelay $0x1  }
0x121: {  	s4 =	simm.s32 $0x2C00;
	v3 =	vadd.s32 v1, v3  }
0x122: {  	[tilespmem:s4], [sflag:$0x1] =	stream.indirect_vreg.gather [hbm4b:s3+s2], $0x80, v4, vm0, $0xb8;
	[tilespmem:$0x1EC00] =	vst v63  }
0x123: {  	s4 =	simm.s32 $0x3400  }
0x124: {  	[tilespmem:s4], [sflag:$0x1] =	stream.indirect_vreg.gather [hbm4b:s5+s2], $0x80, v4, vm0, $0xb8;
	[tilespmem:$0x1EC00] =	vst v63  }
0x125: {  	s4 =	simm.s32 $0x3C00  }
0x126: {  	[tilespmem:s4], [sflag:$0x1] =	stream.indirect_vreg.gather [hbm4b:s3+s2], $0x80, v3, vm0, $0xb8;
	[tilespmem:$0x1EC00] =	vst v63  }
0x127: {  	s4 =	simm.s32 $0x4400  }
0x128: {  	[tilespmem:s4], [sflag:$0x1] =	stream.indirect_vreg.gather [hbm4b:s5+s2], $0x80, v3, vm0, $0xb8;
	[tilespmem:$0x1EC00] =	vst v63  }
0x129: {  	v3 =	vld [tilespmem:s28+$0xFFFFFEE0];
	_ =	sdelay $0x4  }
0x12a: {  	v61 =	vshll.u32 v3, $0x2  }
0x12b: {  	v3 =	vand.u32 $0x7, v3;
	v4 =	vand.u32 $0xFFFFFFE0, v61  }
0x12c: {  	v3 =	vor.u32 v3, v4  }
0x12d: {  	v4 =	vperm.xlane v3, v0;
	_ =	sdelay $0x1  }
0x12e: {  	v4 =	vadd.s32 v1, v4;
	_ =	sdelay $0x1  }
0x12f: {  	v3 =	vperm.xlane v3, v2;
	_ =	sdelay $0x1  }
0x130: {  	s4 =	simm.s32 $0x4C00;
	v3 =	vadd.s32 v1, v3  }
0x131: {  	[tilespmem:s4], [sflag:$0x1] =	stream.indirect_vreg.gather [hbm4b:s3+s2], $0x80, v4, vm0, $0xb8;
	[tilespmem:$0x1EC00] =	vst v63  }
0x132: {  	s4 =	simm.s32 $0x5400  }
0x133: {  	[tilespmem:s4], [sflag:$0x1] =	stream.indirect_vreg.gather [hbm4b:s5+s2], $0x80, v4, vm0, $0xb8;
	[tilespmem:$0x1EC00] =	vst v63  }
0x134: {  	s4 =	simm.s32 $0x5C00  }
0x135: {  	[tilespmem:s4], [sflag:$0x1] =	stream.indirect_vreg.gather [hbm4b:s3+s2], $0x80, v3, vm0, $0xb8;
	[tilespmem:$0x1EC00] =	vst v63  }
0x136: {  	s4 =	simm.s32 $0x6400  }
0x137: {  	[tilespmem:s4], [sflag:$0x1] =	stream.indirect_vreg.gather [hbm4b:s5+s2], $0x80, v3, vm0, $0xb8;
	[tilespmem:$0x1EC00] =	vst v63  }
0x138: {  	v3 =	vld [tilespmem:s28+$0xFFFFFEF0];
	_ =	sdelay $0x4  }
0x139: {  	v62 =	vshll.u32 v3, $0x2  }
0x13a: {  	v3 =	vand.u32 $0x7, v3;
	v4 =	vand.u32 $0xFFFFFFE0, v62  }
0x13b: {  	v3 =	vor.u32 v3, v4  }
0x13c: {  	v4 =	vperm.xlane v3, v0;
	_ =	sdelay $0x1  }
0x13d: {  	v4 =	vadd.s32 v1, v4;
	_ =	sdelay $0x1  }
0x13e: {  	v3 =	vperm.xlane v3, v2;
	_ =	sdelay $0x1  }
0x13f: {  	s4 =	simm.s32 $0x6C00;
	v3 =	vadd.s32 v1, v3  }
0x140: {  	[tilespmem:s4], [sflag:$0x1] =	stream.indirect_vreg.gather [hbm4b:s3+s2], $0x80, v4, vm0, $0xb8;
	[tilespmem:$0x1EC00] =	vst v63  }
0x141: {  	s4 =	simm.s32 $0x7400  }
0x142: {  	[tilespmem:s4], [sflag:$0x1] =	stream.indirect_vreg.gather [hbm4b:s5+s2], $0x80, v4, vm0, $0xb8;
	[tilespmem:$0x1EC00] =	vst v63  }
0x143: {  	s4 =	simm.s32 $0x7C00  }
0x144: {  	[tilespmem:s4], [sflag:$0x1] =	stream.indirect_vreg.gather [hbm4b:s3+s2], $0x80, v3, vm0, $0xb8;
	[tilespmem:$0x1EC00] =	vst v63  }
0x145: {  	s4 =	simm.s32 $0x8400  }
0x146: {  	[tilespmem:s4], [sflag:$0x1] =	stream.indirect_vreg.gather [hbm4b:s5+s2], $0x80, v3, vm0, $0xb8;
	[tilespmem:$0x1EC00] =	vst v63  }
0x147: {  	v3 =	vld [tilespmem:s28+$0xFFFFFF00];
	_ =	sdelay $0x4  }
0x148: {  	v63 =	vshll.u32 v3, $0x2  }
0x149: {  	v3 =	vand.u32 $0x7, v3;
	v4 =	vand.u32 $0xFFFFFFE0, v63  }
0x14a: {  	v3 =	vor.u32 v3, v4  }
0x14b: {  	v4 =	vperm.xlane v3, v0;
	_ =	sdelay $0x1  }
0x14c: {  	v4 =	vadd.s32 v1, v4;
	_ =	sdelay $0x1  }
0x14d: {  	v3 =	vperm.xlane v3, v2;
	_ =	sdelay $0x1  }
0x14e: {  	s4 =	simm.s32 $0x8C00;
	v3 =	vadd.s32 v1, v3  }
0x14f: {  	[tilespmem:s4], [sflag:$0x1] =	stream.indirect_vreg.gather [hbm4b:s3+s2], $0x80, v4, vm0, $0xb8;
	[tilespmem:$0x1EC00] =	vst v63  }
0x150: {  	s4 =	simm.s32 $0x9400  }
0x151: {  	[tilespmem:s4], [sflag:$0x1] =	stream.indirect_vreg.gather [hbm4b:s5+s2], $0x80, v4, vm0, $0xb8;
	[tilespmem:$0x1EC00] =	vst v63  }
0x152: {  	s4 =	simm.s32 $0x9C00  }
0x153: {  	[tilespmem:s4], [sflag:$0x1] =	stream.indirect_vreg.gather [hbm4b:s3+s2], $0x80, v3, vm0, $0xb8;
	[tilespmem:$0x1EC00] =	vst v63  }
0x154: {  	s4 =	simm.s32 $0xA400  }
0x155: {  	[tilespmem:s4], [sflag:$0x1] =	stream.indirect_vreg.gather [hbm4b:s5+s2], $0x80, v3, vm0, $0xb8;
	[tilespmem:$0x1EC00] =	vst v63  }
.LBB2_4:
0x156: {  	_ =	swait.ge [sflag:s25], $0xA000  }
0x157: {  	[sflag:s25] =	ssyncset.done $0x0  }
.Ltmp5:
0x158: {  	s4 =	sadd.s32 $0x1400, s0;
	[sflag:s25] =	ssyncadd.s32 $0xFFFF6000;
	(pc) =	sbr.rel @p0 .LBB2_8-.Ltmp5, $4  }
0x159: {  	[hbm4b:s4+s2] =	stream.linear.scatter [tilespmem:s30], [sflag:$0x4], $0xA000, $0x38;
	[tilespmem:$0x1EC00] =	vst v63  }
0x15a: {  	_ =	swait.ge [sflag:s8], $0xA000  }
0x15b: {  	[sflag:s8] =	ssyncset.done $0x0  }
0x15c: {  	[sflag:s8] =	ssyncadd.s32 $0xFFFF6000  }
0x15d: {  	v3 =	vld [tilespmem:s28+$0xFFFFFF40];
	_ =	sdelay $0x4  }
0x15e: {  	v4 =	vshll.u32 v3, $0x2  }
0x15f: {  	v3 =	vand.u32 $0x7, v3;
	v4 =	vand.u32 $0xFFFFFFE0, v4  }
0x160: {  	v3 =	vor.u32 v3, v4  }
0x161: {  	v4 =	vperm.xlane v3, v0;
	_ =	sdelay $0x1  }
0x162: {  	v4 =	vadd.s32 v1, v4;
	_ =	sdelay $0x1  }
0x163: {  	v3 =	vperm.xlane v3, v2;
	_ =	sdelay $0x1  }
0x164: {  	v3 =	vadd.s32 v1, v3  }
0x165: {  	[tilespmem:s30], [sflag:$0x2] =	stream.indirect_vreg.gather [hbm4b:s3+s2], $0x80, v4, vm0, $0xb8;
	[tilespmem:$0x1EC00] =	vst v63  }
0x166: {  	s4 =	simm.s32 $0xB400  }
0x167: {  	[tilespmem:s4], [sflag:$0x2] =	stream.indirect_vreg.gather [hbm4b:s5+s2], $0x80, v4, vm0, $0xb8;
	[tilespmem:$0x1EC00] =	vst v63  }
0x168: {  	s4 =	simm.s32 $0xBC00  }
0x169: {  	[tilespmem:s4], [sflag:$0x2] =	stream.indirect_vreg.gather [hbm4b:s3+s2], $0x80, v3, vm0, $0xb8;
	[tilespmem:$0x1EC00] =	vst v63  }
0x16a: {  	s4 =	simm.s32 $0xC400  }
0x16b: {  	[tilespmem:s4], [sflag:$0x2] =	stream.indirect_vreg.gather [hbm4b:s5+s2], $0x80, v3, vm0, $0xb8;
	[tilespmem:$0x1EC00] =	vst v63  }
0x16c: {  	v3 =	vld [tilespmem:s28+$0xFFFFFF50];
	_ =	sdelay $0x4  }
0x16d: {  	v60 =	vshll.u32 v3, $0x2  }
0x16e: {  	v3 =	vand.u32 $0x7, v3;
	v4 =	vand.u32 $0xFFFFFFE0, v60  }
0x16f: {  	v3 =	vor.u32 v3, v4  }
0x170: {  	v4 =	vperm.xlane v3, v0;
	_ =	sdelay $0x1  }
0x171: {  	v4 =	vadd.s32 v1, v4;
	_ =	sdelay $0x1  }
0x172: {  	v3 =	vperm.xlane v3, v2;
	_ =	sdelay $0x1  }
0x173: {  	s4 =	simm.s32 $0xCC00;
	v3 =	vadd.s32 v1, v3  }
0x174: {  	[tilespmem:s4], [sflag:$0x2] =	stream.indirect_vreg.gather [hbm4b:s3+s2], $0x80, v4, vm0, $0xb8;
	[tilespmem:$0x1EC00] =	vst v63  }
0x175: {  	_ = 	snop  }
0x176: {  	[tilespmem:s6], [sflag:$0x2] =	stream.indirect_vreg.gather [hbm4b:s5+s2], $0x80, v4, vm0, $0xb8;
	[tilespmem:$0x1EC00] =	vst v63  }
0x177: {  	_ = 	snop  }
0x178: {  	[tilespmem:s10], [sflag:$0x2] =	stream.indirect_vreg.gather [hbm4b:s3+s2], $0x80, v3, vm0, $0xb8;
	[tilespmem:$0x1EC00] =	vst v63  }
0x179: {  	_ = 	snop  }
0x17a: {  	[tilespmem:s11], [sflag:$0x2] =	stream.indirect_vreg.gather [hbm4b:s5+s2], $0x80, v3, vm0, $0xb8;
	[tilespmem:$0x1EC00] =	vst v63  }
0x17b: {  	v3 =	vld [tilespmem:s28+$0xFFFFFF60];
	_ =	sdelay $0x4  }
0x17c: {  	v61 =	vshll.u32 v3, $0x2  }
0x17d: {  	v3 =	vand.u32 $0x7, v3;
	v4 =	vand.u32 $0xFFFFFFE0, v61  }
0x17e: {  	v3 =	vor.u32 v3, v4  }
0x17f: {  	v4 =	vperm.xlane v3, v0;
	_ =	sdelay $0x1  }
0x180: {  	v4 =	vadd.s32 v1, v4;
	_ =	sdelay $0x1  }
0x181: {  	v3 =	vperm.xlane v3, v2;
	_ =	sdelay $0x1  }
0x182: {  	v3 =	vadd.s32 v1, v3  }
0x183: {  	[tilespmem:s12], [sflag:$0x2] =	stream.indirect_vreg.gather [hbm4b:s3+s2], $0x80, v4, vm0, $0xb8;
	[tilespmem:$0x1EC00] =	vst v63  }
0x184: {  	_ = 	snop  }
0x185: {  	[tilespmem:s13], [sflag:$0x2] =	stream.indirect_vreg.gather [hbm4b:s5+s2], $0x80, v4, vm0, $0xb8;
	[tilespmem:$0x1EC00] =	vst v63  }
0x186: {  	_ = 	snop  }
0x187: {  	[tilespmem:s14], [sflag:$0x2] =	stream.indirect_vreg.gather [hbm4b:s3+s2], $0x80, v3, vm0, $0xb8;
	[tilespmem:$0x1EC00] =	vst v63  }
0x188: {  	_ = 	snop  }
0x189: {  	[tilespmem:s15], [sflag:$0x2] =	stream.indirect_vreg.gather [hbm4b:s5+s2], $0x80, v3, vm0, $0xb8;
	[tilespmem:$0x1EC00] =	vst v63  }
0x18a: {  	v3 =	vld [tilespmem:s28+$0xFFFFFF70];
	_ =	sdelay $0x4  }
0x18b: {  	v62 =	vshll.u32 v3, $0x2  }
0x18c: {  	v3 =	vand.u32 $0x7, v3;
	v4 =	vand.u32 $0xFFFFFFE0, v62  }
0x18d: {  	v3 =	vor.u32 v3, v4  }
0x18e: {  	v4 =	vperm.xlane v3, v0;
	_ =	sdelay $0x1  }
0x18f: {  	v4 =	vadd.s32 v1, v4;
	_ =	sdelay $0x1  }
0x190: {  	v3 =	vperm.xlane v3, v2;
	_ =	sdelay $0x1  }
0x191: {  	v3 =	vadd.s32 v1, v3  }
0x192: {  	[tilespmem:s16], [sflag:$0x2] =	stream.indirect_vreg.gather [hbm4b:s3+s2], $0x80, v4, vm0, $0xb8;
	[tilespmem:$0x1EC00] =	vst v63  }
0x193: {  	_ = 	snop  }
0x194: {  	[tilespmem:s17], [sflag:$0x2] =	stream.indirect_vreg.gather [hbm4b:s5+s2], $0x80, v4, vm0, $0xb8;
	[tilespmem:$0x1EC00] =	vst v63  }
0x195: {  	_ = 	snop  }
0x196: {  	[tilespmem:s18], [sflag:$0x2] =	stream.indirect_vreg.gather [hbm4b:s3+s2], $0x80, v3, vm0, $0xb8;
	[tilespmem:$0x1EC00] =	vst v63  }
0x197: {  	_ = 	snop  }
0x198: {  	[tilespmem:s19], [sflag:$0x2] =	stream.indirect_vreg.gather [hbm4b:s5+s2], $0x80, v3, vm0, $0xb8;
	[tilespmem:$0x1EC00] =	vst v63  }
0x199: {  	v3 =	vld [tilespmem:s28+$0xFFFFFF80];
	_ =	sdelay $0x4  }
0x19a: {  	v63 =	vshll.u32 v3, $0x2  }
0x19b: {  	v3 =	vand.u32 $0x7, v3;
	v4 =	vand.u32 $0xFFFFFFE0, v63  }
0x19c: {  	v3 =	vor.u32 v3, v4  }
0x19d: {  	v4 =	vperm.xlane v3, v0;
	_ =	sdelay $0x1  }
0x19e: {  	v4 =	vadd.s32 v1, v4;
	_ =	sdelay $0x1  }
0x19f: {  	v3 =	vperm.xlane v3, v2;
	_ =	sdelay $0x1  }
0x1a0: {  	v3 =	vadd.s32 v1, v3  }
0x1a1: {  	[tilespmem:s20], [sflag:$0x2] =	stream.indirect_vreg.gather [hbm4b:s3+s2], $0x80, v4, vm0, $0xb8;
	[tilespmem:$0x1EC00] =	vst v63  }
0x1a2: {  	_ = 	snop  }
0x1a3: {  	[tilespmem:s21], [sflag:$0x2] =	stream.indirect_vreg.gather [hbm4b:s5+s2], $0x80, v4, vm0, $0xb8;
	[tilespmem:$0x1EC00] =	vst v63  }
0x1a4: {  	_ = 	snop  }
0x1a5: {  	[tilespmem:s22], [sflag:$0x2] =	stream.indirect_vreg.gather [hbm4b:s3+s2], $0x80, v3, vm0, $0xb8;
	[tilespmem:$0x1EC00] =	vst v63  }
0x1a6: {  	_ = 	snop  }
0x1a7: {  	[tilespmem:s23], [sflag:$0x2] =	stream.indirect_vreg.gather [hbm4b:s5+s2], $0x80, v3, vm0, $0xb8;
	[tilespmem:$0x1EC00] =	vst v63  }
0x1a8: {  	_ =	swait.ge [sflag:s26], $0xA000  }
0x1a9: {  	p0 =	sgt.u32 s1, $0x4;
	[sflag:s26] =	ssyncset.done $0x0  }
.Ltmp6:
0x1aa: {  	s0 =	sadd.s32 $0x2800, s0;
	[sflag:s26] =	ssyncadd.s32 $0xFFFF6000;
	(pc) =	sbr.rel @p0 .LBB2_7-.Ltmp6, $4  }
0x1ab: {  	[hbm4b:s0+s2] =	stream.linear.scatter [tilespmem:s24], [sflag:$0x4], $0xA000, $0x38;
	[tilespmem:$0x1EC00] =	vst v63  }
0x1ac: {  	_ =	swait.ge [sflag:s8], $0xA000  }
0x1ad: {  	[sflag:s8] =	ssyncset.done $0x0  }
0x1ae: {  	[sflag:s8] =	ssyncadd.s32 $0xFFFF6000  }
0x1af: {  	v3 =	vld [tilespmem:s28+$0xFFFFFFC0];
	_ =	sdelay $0x4  }
0x1b0: {  	v4 =	vshll.u32 v3, $0x2  }
0x1b1: {  	v3 =	vand.u32 $0x7, v3;
	v4 =	vand.u32 $0xFFFFFFE0, v4  }
0x1b2: {  	v3 =	vor.u32 v3, v4  }
0x1b3: {  	v4 =	vperm.xlane v3, v0;
	_ =	sdelay $0x1  }
0x1b4: {  	v4 =	vadd.s32 v1, v4;
	_ =	sdelay $0x1  }
0x1b5: {  	v3 =	vperm.xlane v3, v2;
	_ =	sdelay $0x1  }
0x1b6: {  	v3 =	vadd.s32 v1, v3  }
0x1b7: {  	[tilespmem:s24], [sflag:$0x3] =	stream.indirect_vreg.gather [hbm4b:s3+s2], $0x80, v4, vm0, $0xb8;
	[tilespmem:$0x1EC00] =	vst v63  }
0x1b8: {  	s0 =	simm.s32 $0x15400  }
0x1b9: {  	[tilespmem:s0], [sflag:$0x3] =	stream.indirect_vreg.gather [hbm4b:s5+s2], $0x80, v4, vm0, $0xb8;
	[tilespmem:$0x1EC00] =	vst v63  }
0x1ba: {  	s4 =	simm.s32 $0x15C00  }
0x1bb: {  	[tilespmem:s4], [sflag:$0x3] =	stream.indirect_vreg.gather [hbm4b:s3+s2], $0x80, v3, vm0, $0xb8;
	[tilespmem:$0x1EC00] =	vst v63  }
0x1bc: {  	s4 =	simm.s32 $0x16400  }
0x1bd: {  	[tilespmem:s4], [sflag:$0x3] =	stream.indirect_vreg.gather [hbm4b:s5+s2], $0x80, v3, vm0, $0xb8;
	[tilespmem:$0x1EC00] =	vst v63  }
0x1be: {  	v3 =	vld [tilespmem:s28+$0xFFFFFFD0];
	_ =	sdelay $0x4  }
0x1bf: {  	v60 =	vshll.u32 v3, $0x2  }
0x1c0: {  	v3 =	vand.u32 $0x7, v3;
	v4 =	vand.u32 $0xFFFFFFE0, v60  }
0x1c1: {  	v3 =	vor.u32 v3, v4  }
0x1c2: {  	v4 =	vperm.xlane v3, v0;
	_ =	sdelay $0x1  }
0x1c3: {  	v4 =	vadd.s32 v1, v4;
	_ =	sdelay $0x1  }
0x1c4: {  	v3 =	vperm.xlane v3, v2;
	_ =	sdelay $0x1  }
0x1c5: {  	s4 =	simm.s32 $0x16C00;
	v3 =	vadd.s32 v1, v3  }
0x1c6: {  	[tilespmem:s4], [sflag:$0x3] =	stream.indirect_vreg.gather [hbm4b:s3+s2], $0x80, v4, vm0, $0xb8;
	[tilespmem:$0x1EC00] =	vst v63  }
0x1c7: {  	s4 =	simm.s32 $0x17400  }
0x1c8: {  	[tilespmem:s4], [sflag:$0x3] =	stream.indirect_vreg.gather [hbm4b:s5+s2], $0x80, v4, vm0, $0xb8;
	[tilespmem:$0x1EC00] =	vst v63  }
0x1c9: {  	s4 =	simm.s32 $0x17C00  }
0x1ca: {  	[tilespmem:s4], [sflag:$0x3] =	stream.indirect_vreg.gather [hbm4b:s3+s2], $0x80, v3, vm0, $0xb8;
	[tilespmem:$0x1EC00] =	vst v63  }
0x1cb: {  	s4 =	simm.s32 $0x18400  }
0x1cc: {  	[tilespmem:s4], [sflag:$0x3] =	stream.indirect_vreg.gather [hbm4b:s5+s2], $0x80, v3, vm0, $0xb8;
	[tilespmem:$0x1EC00] =	vst v63  }
0x1cd: {  	v3 =	vld [tilespmem:s28+$0xFFFFFFE0];
	_ =	sdelay $0x4  }
0x1ce: {  	v61 =	vshll.u32 v3, $0x2  }
0x1cf: {  	v3 =	vand.u32 $0x7, v3;
	v4 =	vand.u32 $0xFFFFFFE0, v61  }
0x1d0: {  	v3 =	vor.u32 v3, v4  }
0x1d1: {  	v4 =	vperm.xlane v3, v0;
	_ =	sdelay $0x1  }
0x1d2: {  	v4 =	vadd.s32 v1, v4;
	_ =	sdelay $0x1  }
0x1d3: {  	v3 =	vperm.xlane v3, v2;
	_ =	sdelay $0x1  }
0x1d4: {  	s4 =	simm.s32 $0x18C00;
	v3 =	vadd.s32 v1, v3  }
0x1d5: {  	[tilespmem:s4], [sflag:$0x3] =	stream.indirect_vreg.gather [hbm4b:s3+s2], $0x80, v4, vm0, $0xb8;
	[tilespmem:$0x1EC00] =	vst v63  }
0x1d6: {  	s4 =	simm.s32 $0x19400  }
0x1d7: {  	[tilespmem:s4], [sflag:$0x3] =	stream.indirect_vreg.gather [hbm4b:s5+s2], $0x80, v4, vm0, $0xb8;
	[tilespmem:$0x1EC00] =	vst v63  }
0x1d8: {  	s4 =	simm.s32 $0x19C00  }
0x1d9: {  	[tilespmem:s4], [sflag:$0x3] =	stream.indirect_vreg.gather [hbm4b:s3+s2], $0x80, v3, vm0, $0xb8;
	[tilespmem:$0x1EC00] =	vst v63  }
0x1da: {  	s4 =	simm.s32 $0x1A400  }
0x1db: {  	[tilespmem:s4], [sflag:$0x3] =	stream.indirect_vreg.gather [hbm4b:s5+s2], $0x80, v3, vm0, $0xb8;
	[tilespmem:$0x1EC00] =	vst v63  }
0x1dc: {  	v3 =	vld [tilespmem:s28+$0xFFFFFFF0];
	_ =	sdelay $0x4  }
0x1dd: {  	v62 =	vshll.u32 v3, $0x2  }
0x1de: {  	v3 =	vand.u32 $0x7, v3;
	v4 =	vand.u32 $0xFFFFFFE0, v62  }
0x1df: {  	v3 =	vor.u32 v3, v4  }
0x1e0: {  	v4 =	vperm.xlane v3, v0;
	_ =	sdelay $0x1  }
0x1e1: {  	v4 =	vadd.s32 v1, v4;
	_ =	sdelay $0x1  }
0x1e2: {  	v3 =	vperm.xlane v3, v2;
	_ =	sdelay $0x1  }
0x1e3: {  	s4 =	simm.s32 $0x1AC00;
	v3 =	vadd.s32 v1, v3  }
0x1e4: {  	[tilespmem:s4], [sflag:$0x3] =	stream.indirect_vreg.gather [hbm4b:s3+s2], $0x80, v4, vm0, $0xb8;
	[tilespmem:$0x1EC00] =	vst v63  }
0x1e5: {  	s4 =	simm.s32 $0x1B400  }
0x1e6: {  	[tilespmem:s4], [sflag:$0x3] =	stream.indirect_vreg.gather [hbm4b:s5+s2], $0x80, v4, vm0, $0xb8;
	[tilespmem:$0x1EC00] =	vst v63  }
0x1e7: {  	s4 =	simm.s32 $0x1BC00  }
0x1e8: {  	[tilespmem:s4], [sflag:$0x3] =	stream.indirect_vreg.gather [hbm4b:s3+s2], $0x80, v3, vm0, $0xb8;
	[tilespmem:$0x1EC00] =	vst v63  }
0x1e9: {  	s4 =	simm.s32 $0x1C400  }
0x1ea: {  	[tilespmem:s4], [sflag:$0x3] =	stream.indirect_vreg.gather [hbm4b:s5+s2], $0x80, v3, vm0, $0xb8;
	[tilespmem:$0x1EC00] =	vst v63  }
0x1eb: {  	v3 =	vld [tilespmem:s28+$0x0];
	_ =	sdelay $0x4  }
0x1ec: {  	v63 =	vshll.u32 v3, $0x2  }
0x1ed: {  	v3 =	vand.u32 $0x7, v3;
	v4 =	vand.u32 $0xFFFFFFE0, v63  }
0x1ee: {  	v3 =	vor.u32 v3, v4  }
0x1ef: {  	v4 =	vperm.xlane v3, v0;
	_ =	sdelay $0x1  }
0x1f0: {  	v4 =	vadd.s32 v1, v4;
	_ =	sdelay $0x2  }
0x1f1: {  	v3 =	vperm.xlane v3, v2  }
0x1f2: {  	s4 =	simm.s32 $0x1CC00  }
0x1f3: {  	v3 =	vadd.s32 v1, v3;
	[tilespmem:s4], [sflag:$0x3] =	stream.indirect_vreg.gather [hbm4b:s3+s2], $0x80, v4, vm0, $0xb8;
	[tilespmem:$0x1EC00] =	vst v63  }
0x1f4: {  	s4 =	simm.s32 $0x1D400  }
0x1f5: {  	[tilespmem:s4], [sflag:$0x3] =	stream.indirect_vreg.gather [hbm4b:s5+s2], $0x80, v4, vm0, $0xb8;
	[tilespmem:$0x1EC00] =	vst v63  }
.Ltmp7:
0x1f6: {  	_ = 	snop;
	(pc) =	sbr.rel .LBB2_7-.Ltmp7, $4  }
0x1f7: {  	s4 =	simm.s32 $0x1DC00  }
0x1f8: {  	[tilespmem:s4], [sflag:$0x3] =	stream.indirect_vreg.gather [hbm4b:s3+s2], $0x80, v3, vm0, $0xb8;
	[tilespmem:$0x1EC00] =	vst v63  }
0x1f9: {  	s4 =	simm.s32 $0x1E400  }
0x1fa: {  	[tilespmem:s4], [sflag:$0x3] =	stream.indirect_vreg.gather [hbm4b:s5+s2], $0x80, v3, vm0, $0xb8;
	[tilespmem:$0x1EC00] =	vst v63  }
.LBB2_9:
0x1fb: {  	_ =	sfence.sel $0x180000  }
0x1fc: {  	[bflag:$0x0] =	sbarrier.arrive $0xFFFF  }
0x1fd: {  	_ =	strace $0x90000047  }
0x1fe: {  	s0 =	stileid.u32;
	[bflag:$0x2] =	sbarrier.arrive $0xFFFF  }
0x1ff: {  	p0 =	sne.s32 s0, $0x0;
	s0 =	rddreg [dreg:$0x2]  }
0x200: {  	s0 =	sadd.s32 @!p0 $0x100000, s0  }
0x201: {  	[sflag:s0] =	ssyncadd.tile.s32 @!p0 $0x1;
	_ =	shalt  }
.Lfunc_end2:
_tile_overlayer_lowered:
.L_overlay_start_2:
0x202: {  	(tag) =	ssettag $0x2  }
0x203: {  	s0 =	rddreg [dreg:$0x0];
	s2 =	stileid.u32  }
0x204: {  	s1 =	rddreg [dreg:$0x1];
	p0 =	sne.s32 s2, $0x0  }
0x205: {  	s3 =	rddreg [dreg:$0x2];
	[bflag:$0x3] =	sbarrier.arrive $0xFFFF;
	s2 =	simm.s32 @!p0 $0x1C04  }
0x206: {  	[timem:s3], [sflag:s2] =	dma.local @!p0 [hbm:s0], s1  }
0x207: {  	s0 =	simm.s32 @!p0 $0x4  }
0x208: {  	_ =	swait.ge @!p0 [sflag:s0], s1  }
0x209: {  	s1 =	ssub.s32 @!p0 $0x0, s1;
	[sflag:s0] =	ssyncset.done @!p0 $0x0  }
0x20a: {  	[sflag:s0] =	ssyncadd.s32 @!p0 s1  }
0x20b: {  	[bflag:$0x3] =	sbarrier.arrive $0xFFFF  }
0x20c: {  	_ =	shalt  }

</sc_bundles>
